<compile_context>
chip_gen: v7x
topology: tpu7x:2x2x1
jax: 0.10.2.dev20260603
libtpu: 0.0.44.dev20260713+nightly
codegen_flags: <defaults>
</compile_context>

<pallas_src>
import functools

import jax
import jax.numpy as jnp
import numpy as np
from jax import lax
from jax.experimental import pallas as pl
from jax.experimental.pallas import tpu as pltpu
from jax.experimental.pallas import tpu_sc as plsc

B, N, S, K, D = 4, 8192, 1024, 32, 64
LEAKY = 0.1


def _fps_body(xyz_ref, idx_ref, nxyz_ref, dd_ref):
    x = xyz_ref[:, 0, :]
    y = xyz_ref[:, 1, :]
    z = xyz_ref[:, 2, :]
    iota = jax.lax.broadcasted_iota(jnp.int32, (B, N), 1)
    lane = jax.lax.broadcasted_iota(jnp.int32, (B, 128), 1)

    dd_ref[...] = jnp.full((B, N), 1e10, jnp.float32)

    def body(j, carry):
        cx, cy, cz, ai, ax, ay, az = carry
        dx = x - cx
        dy = y - cy
        dz = z - cz
        d = dx * dx + dy * dy + dz * dz
        dd = jnp.minimum(dd_ref[...], d)
        dd_ref[...] = dd
        m = jnp.max(dd, axis=1, keepdims=True)
        cand = jnp.where(dd == m, iota, N)
        nxt = jnp.min(cand, axis=1, keepdims=True)
        msk = iota == nxt
        ncx = jnp.sum(jnp.where(msk, x, 0.0), axis=1, keepdims=True)
        ncy = jnp.sum(jnp.where(msk, y, 0.0), axis=1, keepdims=True)
        ncz = jnp.sum(jnp.where(msk, z, 0.0), axis=1, keepdims=True)
        sel = lane == j
        ai = jnp.where(sel, nxt, ai)
        ax = jnp.where(sel, ncx, ax)
        ay = jnp.where(sel, ncy, ay)
        az = jnp.where(sel, ncz, az)
        return (ncx, ncy, ncz, ai, ax, ay, az)

    zi = jnp.zeros((B, 128), jnp.int32)
    zf = jnp.zeros((B, 128), jnp.float32)
    carry = (x[:, 0:1], y[:, 0:1], z[:, 0:1], zi,
             jnp.where(lane == 0, x[:, 0:1], zf),
             jnp.where(lane == 0, y[:, 0:1], zf),
             jnp.where(lane == 0, z[:, 0:1], zf))
    for chunk in range(S // 128):
        lo = 1 if chunk == 0 else 0
        carry = jax.lax.fori_loop(lo, 128, body, carry)
        cx, cy, cz, ai, ax, ay, az = carry
        sl = slice(chunk * 128, (chunk + 1) * 128)
        idx_ref[:, sl] = ai
        nxyz_ref[:, 0, sl] = ax
        nxyz_ref[:, 1, sl] = ay
        nxyz_ref[:, 2, sl] = az
        carry = (cx, cy, cz, zi, zf, zf, zf)


def _fps_pallas(xyz):
    return pl.pallas_call(
        _fps_body,
        out_shape=(
            jax.ShapeDtypeStruct((B, S), jnp.int32),
            jax.ShapeDtypeStruct((B, 3, S), jnp.float32),
        ),
        scratch_shapes=[pltpu.VMEM((B, N), jnp.float32)],
    )(xyz)


_DR = 256


def _dist_body(nx_ref, xp_ref, d_ref):
    nx = nx_ref[...].reshape(_DR, 3)
    xp = xp_ref[...].reshape(3, N)
    e = jnp.dot(nx, xp, preferred_element_type=jnp.float32)
    ssum = jnp.sum(nx * nx, axis=1, keepdims=True)
    dsum = jnp.sum(xp * xp, axis=0, keepdims=True)
    d = -2.0 * e
    d = d + ssum
    d = d + dsum
    d_ref[...] = d


def _dist_pallas(new_xyz, xyz):
    nt = S // _DR
    return pl.pallas_call(
        _dist_body,
        grid=(B, nt),
        in_specs=[
            pl.BlockSpec((1, _DR, 3), lambda b, t: (b, t, 0)),
            pl.BlockSpec((1, 3, N), lambda b, t: (b, 0, 0)),
        ],
        out_specs=pl.BlockSpec((_DR, N), lambda b, t: (b * nt + t, 0)),
        out_shape=jax.ShapeDtypeStruct((B * S, N), jnp.float32),
    )(new_xyz, xyz)


_SINF = jnp.float32(3.0e38)
_RPT = (B * S) // 32


def _sc_select_body(d_hbm, out_hbm, row_v, cv_v, ci_v, ob_v,
                    av_v, bv_v, mv_v, pv_v, rr_v, sem):
    wid = lax.axis_index("s") * 2 + lax.axis_index("c")
    i16 = lax.iota(jnp.int32, 16)
    big = jnp.int32(1 << 30)

    def do_row(r, _):
        rg = wid * _RPT + r
        off = pl.multiple_of(rg * N, 128)
        pltpu.sync_copy(d_hbm.at[pl.ds(off, N)], row_v)

        av_v[...] = jnp.full((16,), _SINF)
        bv_v[...] = jnp.full((16,), _SINF)

        def fold(j, c0):
            base = pl.multiple_of(j * 32, 32)
            av_v[...] = jnp.minimum(av_v[...], row_v[pl.ds(base, 16)])
            bv_v[...] = jnp.minimum(bv_v[...], row_v[pl.ds(base + 16, 16)])
            return c0

        lax.fori_loop(0, N // 32, fold, 0)
        t_thr = jnp.max(jnp.maximum(av_v[...], bv_v[...]))

        def comp(j, cnt):
            base = pl.multiple_of(j * 16, 16)
            v = row_v[pl.ds(base, 16)]
            msk = v <= t_thr
            pc = plsc.all_reduce_population_count(msk)[0]

            def hit(c):
                pos = c + plsc.cumsum(msk.astype(jnp.int32)) - 1
                plsc.store_scatter(cv_v, [pos], v, mask=msk)
                plsc.store_scatter(ci_v, [pos], base + i16, mask=msk)
                return c + pc

            return lax.cond(pc > 0, hit, lambda c: c, cnt)

        cnt = lax.fori_loop(0, N // 16, comp, jnp.int32(0))
        plsc.store_scatter(cv_v, [cnt + i16], jnp.full((16,), _SINF))
        nv = (cnt + 15) // 16

        rr_v[...] = jnp.zeros((K,), jnp.int32)

        def extract(k, c0):
            mv_v[...] = jnp.full((16,), _SINF)
            pv_v[...] = jnp.full((16,), big)

            def fmin(q, c1):
                qb = pl.multiple_of(q * 16, 16)
                c = cv_v[pl.ds(qb, 16)]
                upd = c < mv_v[...]
                pv_v[...] = jnp.where(upd, qb + i16, pv_v[...])
                mv_v[...] = jnp.minimum(mv_v[...], c)
                return c1

            lax.fori_loop(0, nv, fmin, 0)
            mv = mv_v[...]
            m = jnp.min(mv)
            pos = jnp.min(jnp.where(mv == m, pv_v[...], big))
            iv = ci_v[pl.ds(pos, 16)]
            idx = iv[0]
            w = cv_v[pl.ds(pos, 16)]
            cv_v[pl.ds(pos, 16)] = jnp.where(i16 == 0, _SINF, w)
            rr_v[0:16] = jnp.where(i16 == k, idx, rr_v[0:16])
            rr_v[16:32] = jnp.where(i16 == (k - 16), idx, rr_v[16:32])
            return c0

        lax.fori_loop(0, K, extract, 0)
        goff = (rg // S) * N
        ob = pl.multiple_of(r * K, 32)
        ob_v[pl.ds(ob, 16)] = rr_v[0:16] + goff
        ob_v[pl.ds(ob + 16, 16)] = rr_v[16:32] + goff
        return 0

    lax.fori_loop(0, _RPT, do_row, 0)
    obase = pl.multiple_of(wid * (_RPT * K), 128)
    pltpu.sync_copy(ob_v, out_hbm.at[pl.ds(obase, _RPT * K)])


def _sc_select(dist_flat):
    mesh = plsc.VectorSubcoreMesh(core_axis_name="c", subcore_axis_name="s")
    fn = functools.partial(
        pl.kernel,
        out_type=jax.ShapeDtypeStruct((NROWS,), jnp.int32),
        mesh=mesh,
        scratch_types=[
            pltpu.VMEM((N,), jnp.float32),
            pltpu.VMEM((N + 16,), jnp.float32),
            pltpu.VMEM((N + 16,), jnp.int32),
            pltpu.VMEM((_RPT * K,), jnp.int32),
            pltpu.VMEM((16,), jnp.float32),
            pltpu.VMEM((16,), jnp.float32),
            pltpu.VMEM((16,), jnp.float32),
            pltpu.VMEM((16,), jnp.int32),
            pltpu.VMEM((K,), jnp.int32),
            pltpu.SemaphoreType.DMA,
        ],
    )(_sc_select_body)
    return fn(dist_flat)


def _lrelu(x):
    return jnp.where(x >= 0, x, LEAKY * x)


NROWS = B * S * K
TROWS = 512
NT = NROWS // TROWS
CNT = float(NROWS)


def _g_body(x3_ref, xp_ref, w0a_ref, w0b_ref, g_ref):
    x3 = x3_ref[...].reshape(TROWS, 3)
    xp = xp_ref[...].reshape(TROWS, D)
    g = jnp.dot(x3, w0a_ref[...], preferred_element_type=jnp.float32)
    g = g + jnp.dot(xp, w0b_ref[...], preferred_element_type=jnp.float32)
    g_ref[...] = g


def _g_pallas(xyz_t, pts_t, w0a, w0b):
    nt = N // TROWS
    return pl.pallas_call(
        _g_body,
        grid=(B, nt),
        in_specs=[
            pl.BlockSpec((1, TROWS, 3), lambda b, t: (b, t, 0)),
            pl.BlockSpec((1, TROWS, D), lambda b, t: (b, t, 0)),
            pl.BlockSpec((3, 128), lambda b, t: (0, 0)),
            pl.BlockSpec((D, 128), lambda b, t: (0, 0)),
        ],
        out_specs=pl.BlockSpec((TROWS, 128), lambda b, t: (b * nt + t, 0)),
        out_shape=jax.ShapeDtypeStruct((B * N, 128), jnp.float32),
    )(xyz_t, pts_t, w0a, w0b)


def _c_body(nx_ref, w0a_ref, c_ref):
    c_ref[...] = jnp.dot(nx_ref[...], w0a_ref[...],
                         preferred_element_type=jnp.float32)


def _c_pallas(nx_flat, w0a):
    nt = (B * S) // TROWS
    return pl.pallas_call(
        _c_body,
        grid=(nt,),
        in_specs=[
            pl.BlockSpec((TROWS, 3), lambda t: (t, 0)),
            pl.BlockSpec((3, 128), lambda t: (0, 0)),
        ],
        out_specs=pl.BlockSpec((TROWS, 128), lambda t: (t, 0)),
        out_shape=jax.ShapeDtypeStruct((B * S, 128), jnp.float32),
    )(nx_flat, w0a)


_NW = 32
_RPW = NROWS // _NW
_GCH = 128
_NCH = _RPW // _GCH


def _sc_gather_body(g_hbm, gidx_hbm, out_hbm, idx_v, rows_v, sem):
    wid = lax.axis_index("s") * 2 + lax.axis_index("c")

    def chunk(c, _):
        base = pl.multiple_of((wid * _NCH + c) * _GCH, _GCH)
        pltpu.sync_copy(gidx_hbm.at[pl.ds(base, _GCH)], idx_v)
        pltpu.async_copy(g_hbm.at[idx_v], rows_v, sem).wait()
        pltpu.sync_copy(rows_v, out_hbm.at[pl.ds(base, _GCH)])
        return 0

    lax.fori_loop(0, _NCH, chunk, 0)


def _sc_gather(G, gidx):
    mesh = plsc.VectorSubcoreMesh(core_axis_name="c", subcore_axis_name="s")
    fn = functools.partial(
        pl.kernel,
        out_type=jax.ShapeDtypeStruct((NROWS, 128), jnp.float32),
        mesh=mesh,
        scratch_types=[
            pltpu.VMEM((_GCH,), jnp.int32),
            pltpu.VMEM((_GCH, 128), jnp.float32),
            pltpu.SemaphoreType.DMA,
        ],
    )(_sc_gather_body)
    return fn(G, gidx)


def _p1_body(y0g_ref, c_ref, st_ref, acc_ref):
    t = pl.program_id(0)

    @pl.when(t == 0)
    def _():
        acc_ref[...] = jnp.zeros((16, 128), jnp.float32)

    y0 = y0g_ref[...].reshape(16, K, 128) - c_ref[...].reshape(16, 1, 128)
    y0 = y0.reshape(TROWS, 128)
    ps = jnp.sum(y0.reshape(64, 8, 128), axis=0)
    pq = jnp.sum((y0 * y0).reshape(64, 8, 128), axis=0)
    acc_ref[0:8, :] = acc_ref[0:8, :] + ps
    acc_ref[8:16, :] = acc_ref[8:16, :] + pq

    @pl.when(t == NT - 1)
    def _():
        st_ref[...] = acc_ref[...]


def _p1_pallas(y0g, c):
    return pl.pallas_call(
        _p1_body,
        grid=(NT,),
        in_specs=[
            pl.BlockSpec((TROWS, 128), lambda t: (t, 0)),
            pl.BlockSpec((16, 128), lambda t: (t, 0)),
        ],
        out_specs=pl.BlockSpec((16, 128), lambda t: (0, 0)),
        out_shape=jax.ShapeDtypeStruct((16, 128), jnp.float32),
        scratch_shapes=[pltpu.VMEM((16, 128), jnp.float32)],
    )(y0g, c)


def _bn_coefs(st_ref, g_ref, b_ref, cnt):
    m = jnp.sum(st_ref[0:8, :], axis=0, keepdims=True) / cnt
    q = jnp.sum(st_ref[8:16, :], axis=0, keepdims=True) / cnt
    v = q - m * m
    s = g_ref[...] * jax.lax.rsqrt(v + 1e-5)
    c = b_ref[...] - m * s
    return s, c


def _p2_body(y0g_ref, c_ref, st0_ref, g0_ref, b0_ref, w1_ref,
             z1_ref, st_ref, acc_ref):
    t = pl.program_id(0)

    @pl.when(t == 0)
    def _():
        acc_ref[...] = jnp.zeros((16, 64), jnp.float32)

    s0, c0 = _bn_coefs(st0_ref, g0_ref, b0_ref, CNT)
    y0 = y0g_ref[...].reshape(16, K, 128) - c_ref[...].reshape(16, 1, 128)
    y0 = y0.reshape(TROWS, 128)
    a = _lrelu(y0 * s0 + c0)
    z1 = jnp.dot(a, w1_ref[...], preferred_element_type=jnp.float32)
    z1_ref[...] = z1
    acc_ref[0:8, :] = acc_ref[0:8, :] + jnp.sum(z1.reshape(64, 8, 64), axis=0)
    acc_ref[8:16, :] = acc_ref[8:16, :] + jnp.sum((z1 * z1).reshape(64, 8, 64), axis=0)

    @pl.when(t == NT - 1)
    def _():
        st_ref[...] = acc_ref[...]


def _p2_pallas(y0g, c, st0, g0, b0, w1):
    return pl.pallas_call(
        _p2_body,
        grid=(NT,),
        in_specs=[
            pl.BlockSpec((TROWS, 128), lambda t: (t, 0)),
            pl.BlockSpec((16, 128), lambda t: (t, 0)),
            pl.BlockSpec((16, 128), lambda t: (0, 0)),
            pl.BlockSpec((1, 128), lambda t: (0, 0)),
            pl.BlockSpec((1, 128), lambda t: (0, 0)),
            pl.BlockSpec((128, 64), lambda t: (0, 0)),
        ],
        out_specs=(
            pl.BlockSpec((TROWS, 64), lambda t: (t, 0)),
            pl.BlockSpec((16, 64), lambda t: (0, 0)),
        ),
        out_shape=(
            jax.ShapeDtypeStruct((NROWS, 64), jnp.float32),
            jax.ShapeDtypeStruct((16, 64), jnp.float32),
        ),
        scratch_shapes=[pltpu.VMEM((16, 64), jnp.float32)],
    )(y0g, c, st0, g0, b0, w1)


def _p3_body(z1_ref, st1_ref, g1_ref, b1_ref, w2_ref,
             mx_ref, mn_ref, st_ref, acc_ref):
    t = pl.program_id(0)

    @pl.when(t == 0)
    def _():
        acc_ref[...] = jnp.zeros((16, 128), jnp.float32)

    s1, c1 = _bn_coefs(st1_ref, g1_ref, b1_ref, CNT)
    a = _lrelu(z1_ref[...] * s1 + c1)
    z2 = jnp.dot(a, w2_ref[...], preferred_element_type=jnp.float32)
    acc_ref[0:8, :] = acc_ref[0:8, :] + jnp.sum(z2.reshape(64, 8, 128), axis=0)
    acc_ref[8:16, :] = acc_ref[8:16, :] + jnp.sum((z2 * z2).reshape(64, 8, 128), axis=0)
    z2r = z2.reshape(16, K, 128)
    mx_ref[...] = jnp.max(z2r, axis=1)
    mn_ref[...] = jnp.min(z2r, axis=1)

    @pl.when(t == NT - 1)
    def _():
        st_ref[...] = acc_ref[...]


def _p3_pallas(z1, st1, g1, b1, w2):
    return pl.pallas_call(
        _p3_body,
        grid=(NT,),
        in_specs=[
            pl.BlockSpec((TROWS, 64), lambda t: (t, 0)),
            pl.BlockSpec((16, 64), lambda t: (0, 0)),
            pl.BlockSpec((1, 64), lambda t: (0, 0)),
            pl.BlockSpec((1, 64), lambda t: (0, 0)),
            pl.BlockSpec((64, 128), lambda t: (0, 0)),
        ],
        out_specs=(
            pl.BlockSpec((16, 128), lambda t: (t, 0)),
            pl.BlockSpec((16, 128), lambda t: (t, 0)),
            pl.BlockSpec((16, 128), lambda t: (0, 0)),
        ),
        out_shape=(
            jax.ShapeDtypeStruct((B * S, 128), jnp.float32),
            jax.ShapeDtypeStruct((B * S, 128), jnp.float32),
            jax.ShapeDtypeStruct((16, 128), jnp.float32),
        ),
        scratch_shapes=[pltpu.VMEM((16, 128), jnp.float32)],
    )(z1, st1, g1, b1, w2)


def _p4_body(mx_ref, mn_ref, st2_ref, g2_ref, b2_ref, o_ref):
    s2, c2 = _bn_coefs(st2_ref, g2_ref, b2_ref, CNT)
    v = jnp.where(s2 >= 0, mx_ref[...] * s2, mn_ref[...] * s2) + c2
    o_ref[...] = _lrelu(v)


def _p4_pallas(mx, mn, st2, g2, b2):
    nt = (B * S) // TROWS
    return pl.pallas_call(
        _p4_body,
        grid=(nt,),
        in_specs=[
            pl.BlockSpec((TROWS, 128), lambda t: (t, 0)),
            pl.BlockSpec((TROWS, 128), lambda t: (t, 0)),
            pl.BlockSpec((16, 128), lambda t: (0, 0)),
            pl.BlockSpec((1, 128), lambda t: (0, 0)),
            pl.BlockSpec((1, 128), lambda t: (0, 0)),
        ],
        out_specs=pl.BlockSpec((TROWS, 128), lambda t: (t, 0)),
        out_shape=jax.ShapeDtypeStruct((B * S, 128), jnp.float32),
    )(mx, mn, st2, g2, b2)


def kernel(xyz, points, W0, W1, W2, g0, g1, g2, b0, b1, b2):
    xyz_t = jnp.transpose(xyz, (0, 2, 1))
    pts_t = jnp.transpose(points, (0, 2, 1))
    fps_idx, new_xyz_p = _fps_pallas(xyz)
    new_xyz = jnp.transpose(new_xyz_p, (0, 2, 1))
    dist = _dist_pallas(new_xyz, xyz)
    _, knn_idx = jax.lax.top_k(-dist.reshape(B, S, N), K)
    gidx = (knn_idx + (jnp.arange(B, dtype=jnp.int32) * N)[:, None, None]
            ).reshape(-1)

    w0a = jnp.pad(W0[:3], ((0, 0), (0, 64)))
    w0b = jnp.pad(W0[3:], ((0, 0), (0, 64)))
    w1p = jnp.pad(W1, ((0, 64), (0, 0)))
    g0p = jnp.pad(g0.reshape(1, 64), ((0, 0), (0, 64)))
    b0p = jnp.pad(b0.reshape(1, 64), ((0, 0), (0, 64)))
    G = _g_pallas(xyz_t, pts_t, w0a, w0b)
    C = _c_pallas(new_xyz.reshape(B * S, 3), w0a)

    y0g = _sc_gather(G, gidx)

    st0 = _p1_pallas(y0g, C)
    z1, st1 = _p2_pallas(y0g, C, st0, g0p, b0p, w1p)
    mx, mn, st2 = _p3_pallas(z1, st1, g1.reshape(1, 64), b1.reshape(1, 64), W2)
    xo = _p4_pallas(mx, mn, st2, g2.reshape(1, 128), b2.reshape(1, 128))
    x = xo.reshape(B, S, 128).transpose(0, 2, 1)
    return (new_xyz_p, x, fps_idx)

# --- scband reference (transcript-rebuilt; emitter-appended) ---
"""Pipeline reference for scband-set-abstract-25220047962579 (READ-ONLY COPY).

The authoritative reference and input builder live on the scoring server;
editing this copy changes nothing except your own understanding.
"""

import jax, jax.numpy as jnp
import numpy as np

B, N, S, K, D = 4, 8192, 1024, 32, 64
LEAKY = 0.1

def _fps(xyz, npoint):
    # xyz: [B, N, 3] -> idx [B, npoint] int32 (furthest point sampling, seed index 0)
    b, n, _ = xyz.shape
    idx0 = jnp.zeros((b, npoint), dtype=jnp.int32)
    dists = jnp.full((b, n), 1e10, dtype=xyz.dtype)
    last = jnp.zeros((b,), dtype=jnp.int32)
    def body(i, state):
        idx, dd, lst = state
        last_pt = jnp.take_along_axis(xyz, lst[:, None, None].astype(jnp.int32), axis=1)
        d = jnp.sum((xyz - last_pt) ** 2, axis=-1)
        dd = jnp.minimum(dd, d)
        nxt = jnp.argmax(dd, axis=1).astype(jnp.int32)
        idx = idx.at[:, i].set(nxt)
        return (idx, dd, nxt)
    idx, _, _ = jax.lax.fori_loop(1, npoint, body, (idx0, dists, last))
    return idx

def _group(points, idx):
    # points [B, N, C], idx [B, S, K] -> [B, S, K, C]
    return jax.vmap(lambda p, i: p[i])(points, idx)

def _square_distance(src, dst):
    d = -2.0 * jnp.einsum('bnc,bmc->bnm', src, dst)
    d = d + jnp.sum(src ** 2, -1)[:, :, None]
    d = d + jnp.sum(dst ** 2, -1)[:, None, :]
    return d

def _bn2d(x, g, b):
    m = jnp.mean(x, axis=(0, 2, 3), keepdims=True)
    v = jnp.var(x, axis=(0, 2, 3), keepdims=True)
    return (x - m) / jnp.sqrt(v + 1e-5) * g[None, :, None, None] + b[None, :, None, None]

def _lrelu(x):
    return jnp.where(x >= 0, x, LEAKY * x)

def setup_inputs(seed: int = 0):
    key = jax.random.key(seed)
    ks = jax.random.split(key, 8)
    xyz = jax.random.normal(ks[0], (B, 3, N), dtype=jnp.float32)
    points = jax.random.normal(ks[1], (B, D, N), dtype=jnp.float32)
    c0 = D + 3
    W0 = jax.random.normal(ks[2], (c0, 64), dtype=jnp.float32) / np.sqrt(c0)
    W1 = jax.random.normal(ks[3], (64, 64), dtype=jnp.float32) / np.sqrt(64)
    W2 = jax.random.normal(ks[4], (64, 128), dtype=jnp.float32) / np.sqrt(64)
    g0 = jnp.ones((64,), jnp.float32); b0 = jnp.zeros((64,), jnp.float32)
    g1 = jnp.ones((64,), jnp.float32); b1 = jnp.zeros((64,), jnp.float32)
    g2 = jnp.ones((128,), jnp.float32); b2 = jnp.zeros((128,), jnp.float32)
    return {"xyz": xyz, "points": points, "W0": W0, "W1": W1, "W2": W2,
            "g0": g0, "g1": g1, "g2": g2, "b0": b0, "b1": b1, "b2": b2}

def reference(xyz, points, W0, W1, W2, g0, g1, g2, b0, b1, b2):
    xyz_t = jnp.transpose(xyz, (0, 2, 1))      # [B, N, 3]
    pts_t = jnp.transpose(points, (0, 2, 1))   # [B, N, D]
    fps_idx = _fps(jax.lax.stop_gradient(xyz_t), S)
    new_xyz = jax.vmap(lambda p, i: p[i])(xyz_t, fps_idx)  # [B, S, 3]
    sqr = _square_distance(new_xyz, xyz_t)     # [B, S, N]
    _, knn_idx = jax.lax.top_k(-sqr, K)        # smallest distances
    grouped_xyz = _group(xyz_t, knn_idx)       # [B, S, K, 3]
    grouped_norm = grouped_xyz - new_xyz[:, :, None, :]
    grouped_pts = _group(pts_t, knn_idx)       # [B, S, K, D]
    feat = jnp.concatenate([grouped_norm, grouped_pts], axis=-1)  # [B, S, K, D+3]
    x = jnp.transpose(feat, (0, 3, 1, 2))      # [B, D+3, S, K]
    x = _lrelu(_bn2d(jnp.einsum('bcsk,cd->bdsk', x, W0), g0, b0))
    x = _lrelu(_bn2d(jnp.einsum('bcsk,cd->bdsk', x, W1), g1, b1))
    x = _lrelu(_bn2d(jnp.einsum('bcsk,cd->bdsk', x, W2), g2, b2))
    x = jnp.max(x, axis=-1)                    # [B, 128, S]
    return (jnp.transpose(new_xyz, (0, 2, 1)), x, fps_idx)

if __name__ == "__main__":
    import jax
    _d = setup_inputs()
    print(jax.jit(kernel)(*tuple(_d.values())))

</pallas_src>

<mosaic_0001>
#map = affine_map<(d0, d1) -> (0, 0)>
#map1 = affine_map<(d0, d1) -> (0)>
module attributes {stable_mosaic.version = 14 : i64} {
  func.func @_sc_gather_body(%arg0: i32, %arg1: i32, %arg2: memref<32768x128xf32, #tpu.memory_space<hbm>>, %arg3: memref<131072xi32, #tpu.memory_space<hbm>>, %arg4: memref<131072x128xf32, #tpu.memory_space<hbm>>, %arg5: memref<128xi32, #tpu.memory_space<vmem>>, %arg6: memref<128x128xf32, #tpu.memory_space<vmem>>, %arg7: memref<!tpu.dma_semaphore, #tpu.memory_space<semaphore_mem>>) attributes {dimension_semantics = [#tpu.dimension_semantics<core_parallel>, #tpu.dimension_semantics<subcore_parallel>], iteration_bounds = array<i64: 2, 16>, scalar_prefetch = 0 : i64, scratch_operands = 3 : i64, tpu.core_type = #tpu.core_type<sc_vector_subcore>, window_params = [{transform_indices = #map}, {transform_indices = #map1}, {transform_indices = #map}]} {
    %mul3A = arith.constant 2 : i32
    %mul3A_0 = arith.muli %arg1, %mul3A : i32
    %add3A = arith.addi %mul3A_0, %arg0 : i32
    %scan3A = arith.constant 0 : i32
    %scan3A_1 = arith.constant 0 : i32
    %scan3A_2 = arith.constant 32 : i32
    %scan3A_3 = arith.addi %scan3A_1, %scan3A_2 : i32
    %scan3A_4 = arith.constant 1 : i32
    %scan3A_5 = scf.for %scan3A_7 = %scan3A_1 to %scan3A_3 step %scan3A_4 iter_args(%scan3A_8 = %scan3A) -> (i32)  : i32 {
      %mul3A_9 = arith.constant 32 : i32
      %mul3A_10 = arith.muli %add3A, %mul3A_9 : i32
      %add3A_11 = arith.addi %mul3A_10, %scan3A_7 : i32
      %mul3A_12 = arith.constant 128 : i32
      %mul3A_13 = arith.muli %add3A_11, %mul3A_12 : i32
      %multiple_of3A = tpu.assume_multiple %mul3A_13, 128 : i32
      "tpu.region"() ({
        %run_scoped3A = tpu.sem_alloc : memref<!tpu.dma_semaphore, #tpu.memory_space<semaphore_mem>>
        %dma_start3A_19 = tpu.memref_slice %arg3[%multiple_of3A] : memref<131072xi32, #tpu.memory_space<hbm>> -> memref<128xi32, #tpu.memory_space<hbm>>
        %dma_start3A_20 = tpu.memref_slice %arg3[%multiple_of3A] : memref<131072xi32, #tpu.memory_space<hbm>> -> memref<128xi32, #tpu.memory_space<hbm>>
        tpu.enqueue_dma source(%dma_start3A_20 : memref<128xi32, #tpu.memory_space<hbm>>) target(%arg5 : memref<128xi32, #tpu.memory_space<vmem>>) target_semaphore(%run_scoped3A : memref<!tpu.dma_semaphore, #tpu.memory_space<semaphore_mem>>)
        %dma_wait3A_21 = tpu.memref_slice %arg3[%multiple_of3A] : memref<131072xi32, #tpu.memory_space<hbm>> -> memref<128xi32, #tpu.memory_space<hbm>>
        %dma_wait3A_22 = tpu.memref_slice %arg3[%multiple_of3A] : memref<131072xi32, #tpu.memory_space<hbm>> -> memref<128xi32, #tpu.memory_space<hbm>>
        tpu.wait_dma2 semaphore(%run_scoped3A : memref<!tpu.dma_semaphore, #tpu.memory_space<semaphore_mem>>) src(%dma_wait3A_22 : memref<128xi32, #tpu.memory_space<hbm>>) dst(%arg5 : memref<128xi32, #tpu.memory_space<vmem>>)
        tpu.yield
      }) : () -> ()
      %dma_start3A = arith.constant 0 : i32
      %dma_start3A_14 = arith.constant 0 : i32
      %dma_start3A_15 = tpu.memref_slice %arg2[%dma_start3A, %dma_start3A_14] : memref<32768x128xf32, #tpu.memory_space<hbm>> -> memref<32768x128xf32, #tpu.memory_space<hbm>>
      tpu.enqueue_indirect_dma source(%dma_start3A_15 : memref<32768x128xf32, #tpu.memory_space<hbm>>) target(%arg6 : memref<128x128xf32, #tpu.memory_space<vmem>>) offsets(%arg5 : memref<128xi32, #tpu.memory_space<vmem>>) semaphore(%arg7 : memref<!tpu.dma_semaphore, #tpu.memory_space<semaphore_mem>>)
      %dma_wait3A = arith.constant 0 : i32
      %dma_wait3A_16 = arith.constant 0 : i32
      %dma_wait3A_17 = tpu.memref_slice %arg2[%dma_wait3A, %dma_wait3A_16] : memref<32768x128xf32, #tpu.memory_space<hbm>> -> memref<32768x128xf32, #tpu.memory_space<hbm>>
      tpu.wait_indirect_dma semaphore(%arg7 : memref<!tpu.dma_semaphore, #tpu.memory_space<semaphore_mem>>) src(%dma_wait3A_17 : memref<32768x128xf32, #tpu.memory_space<hbm>>) dst(%arg6 : memref<128x128xf32, #tpu.memory_space<vmem>>)
      "tpu.region"() ({
        %run_scoped3A = tpu.sem_alloc : memref<!tpu.dma_semaphore, #tpu.memory_space<semaphore_mem>>
        %dma_start3A_19 = arith.constant 0 : i32
        %dma_start3A_20 = tpu.memref_slice %arg4[%multiple_of3A, %dma_start3A_19] : memref<131072x128xf32, #tpu.memory_space<hbm>> -> memref<128x128xf32, #tpu.memory_space<hbm>>
        %dma_start3A_21 = arith.constant 0 : i32
        %dma_start3A_22 = tpu.memref_slice %arg4[%multiple_of3A, %dma_start3A_21] : memref<131072x128xf32, #tpu.memory_space<hbm>> -> memref<128x128xf32, #tpu.memory_space<hbm>>
        tpu.enqueue_dma source(%arg6 : memref<128x128xf32, #tpu.memory_space<vmem>>) target(%dma_start3A_22 : memref<128x128xf32, #tpu.memory_space<hbm>>) target_semaphore(%run_scoped3A : memref<!tpu.dma_semaphore, #tpu.memory_space<semaphore_mem>>)
        %dma_wait3A_23 = arith.constant 0 : i32
        %dma_wait3A_24 = tpu.memref_slice %arg4[%multiple_of3A, %dma_wait3A_23] : memref<131072x128xf32, #tpu.memory_space<hbm>> -> memref<128x128xf32, #tpu.memory_space<hbm>>
        %dma_wait3A_25 = arith.constant 0 : i32
        %dma_wait3A_26 = tpu.memref_slice %arg4[%multiple_of3A, %dma_wait3A_25] : memref<131072x128xf32, #tpu.memory_space<hbm>> -> memref<128x128xf32, #tpu.memory_space<hbm>>
        tpu.wait_dma2 semaphore(%run_scoped3A : memref<!tpu.dma_semaphore, #tpu.memory_space<semaphore_mem>>) src(%arg6 : memref<128x128xf32, #tpu.memory_space<vmem>>) dst(%dma_wait3A_26 : memref<128x128xf32, #tpu.memory_space<hbm>>)
        tpu.yield
      }) : () -> ()
      %scan3A_18 = arith.constant 0 : i32
      scf.yield %scan3A_18 : i32
    }
    %scan3A_6 = arith.constant 32 : i32
    return
  }
}

module attributes {stable_mosaic.version = 14 : i64} {
  func.func @_dist_body(%arg0: i32, %arg1: i32, %arg2: memref<1x256x3xf32, #tpu.memory_space<vmem>>, %arg3: memref<1x3x8192xf32, #tpu.memory_space<vmem>>, %arg4: memref<256x8192xf32, #tpu.memory_space<vmem>>) attributes {dimension_semantics = [#tpu.dimension_semantics<arbitrary>, #tpu.dimension_semantics<arbitrary>], iteration_bounds = array<i64: 4, 4>, scalar_prefetch = 0 : i64, scratch_operands = 0 : i64, tpu.core_type = #tpu.core_type<tc>, window_params = [{transform_indices = @transform_0, window_bounds = array<i64: 1, 256, 3>}, {transform_indices = @transform_1, window_bounds = array<i64: 1, 3, 8192>}, {transform_indices = @transform_2, window_bounds = array<i64: 256, 8192>}]} {
    %get3A = arith.constant 0 : index
    %get3A_0 = arith.constant 0 : index
    %get3A_1 = arith.constant 0 : index
    %get3A_2 = vector.load %arg2[%get3A, %get3A_0, %get3A_1] : memref<1x256x3xf32, #tpu.memory_space<vmem>>, vector<1x256x3xf32>
    %reshape3A = vector.shape_cast %get3A_2 : vector<1x256x3xf32> to vector<256x3xf32>
    %get3A_3 = arith.constant 0 : index
    %get3A_4 = arith.constant 0 : index
    %get3A_5 = arith.constant 0 : index
    %get3A_6 = vector.load %arg3[%get3A_3, %get3A_4, %get3A_5] : memref<1x3x8192xf32, #tpu.memory_space<vmem>>, vector<1x3x8192xf32>
    %reshape3A_7 = vector.shape_cast %get3A_6 : vector<1x3x8192xf32> to vector<3x8192xf32>
    %dot_general3A = arith.constant dense<0.000000e+00> : vector<256x8192xf32>
    %dot_general3A_8 = tpu.matmul %reshape3A, %reshape3A_7, %dot_general3A {dimension_numbers = #tpu.dot_dimension_numbers<[1], [0], [0], [1], [0, 0, 1, 1], [], []>, transpose_lhs_hint = false} : vector<256x3xf32>, vector<3x8192xf32>, vector<256x8192xf32> -> vector<256x8192xf32>
    %mul3A = arith.mulf %reshape3A, %reshape3A : vector<256x3xf32>
    %reduce_sum3A = arith.constant dense<0.000000e+00> : vector<256xf32>
    %reduce_sum3A_9 = vector.multi_reduction <add>, %mul3A, %reduce_sum3A [1] : vector<256x3xf32> to vector<256xf32>
    %broadcast_in_dim3A = vector.shape_cast %reduce_sum3A_9 : vector<256xf32> to vector<256x1xf32>
    %mul3A_10 = arith.mulf %reshape3A_7, %reshape3A_7 : vector<3x8192xf32>
    %reduce_sum3A_11 = arith.constant dense<0.000000e+00> : vector<8192xf32>
    %reduce_sum3A_12 = vector.multi_reduction <add>, %mul3A_10, %reduce_sum3A_11 [0] : vector<3x8192xf32> to vector<8192xf32>
    %broadcast_in_dim3A_13 = vector.shape_cast %reduce_sum3A_12 : vector<8192xf32> to vector<1x8192xf32>
    %mul3A_14 = arith.constant -2.000000e+00 : f32
    %mul3A_15 = vector.broadcast %mul3A_14 : f32 to vector<256x8192xf32>
    %mul3A_16 = arith.mulf %mul3A_15, %dot_general3A_8 : vector<256x8192xf32>
    %add3A = vector.broadcast %broadcast_in_dim3A : vector<256x1xf32> to vector<256x8192xf32>
    %add3A_17 = arith.addf %mul3A_16, %add3A : vector<256x8192xf32>
    %add3A_18 = vector.broadcast %broadcast_in_dim3A_13 : vector<1x8192xf32> to vector<256x8192xf32>
    %add3A_19 = arith.addf %add3A_17, %add3A_18 : vector<256x8192xf32>
    %swap3A = arith.constant 0 : index
    %swap3A_20 = arith.constant 0 : index
    %swap3A_21 = vector.load %arg4[%swap3A, %swap3A_20] : memref<256x8192xf32, #tpu.memory_space<vmem>>, vector<256x8192xf32>
    tpu.vector_store %arg4[%swap3A, %swap3A_20], %add3A_19 {strides = array<i32>} : memref<256x8192xf32, #tpu.memory_space<vmem>>, vector<256x8192xf32>,
    return
  }
  func.func @transform_0(%arg0: i32, %arg1: i32) -> (i32, i32, i32) {
    %c0_i32 = arith.constant 0 : i32
    %c0_i32_0 = arith.constant 0 : i32
    return %arg0, %arg1, %c0_i32 : i32, i32, i32
  }
  func.func @transform_1(%arg0: i32, %arg1: i32) -> (i32, i32, i32) {
    %c0_i32 = arith.constant 0 : i32
    %c0_i32_0 = arith.constant 0 : i32
    %c0_i32_1 = arith.constant 0 : i32
    return %arg0, %c0_i32, %c0_i32_0 : i32, i32, i32
  }
  func.func @transform_2(%arg0: i32, %arg1: i32) -> (i32, i32) {
    %mul3A = arith.constant 4 : i32
    %mul3A_0 = arith.muli %arg0, %mul3A : i32
    %add3A = arith.addi %mul3A_0, %arg1 : i32
    %c0_i32 = arith.constant 0 : i32
    %c0_i32_1 = arith.constant 0 : i32
    return %add3A, %c0_i32 : i32, i32
  }
}

module attributes {stable_mosaic.version = 14 : i64} {
  func.func @_fps_body(%arg0: memref<4x3x8192xf32, #tpu.memory_space<vmem>>, %arg1: memref<4x1024xi32, #tpu.memory_space<vmem>>, %arg2: memref<4x3x1024xf32, #tpu.memory_space<vmem>>, %arg3: memref<4x8192xf32, #tpu.memory_space<vmem>>) attributes {dimension_semantics = [], scalar_prefetch = 0 : i64, scratch_operands = 1 : i64, tpu.core_type = #tpu.core_type<tc>} {
    %get3A = arith.constant 0 : index
    %get3A_0 = arith.constant 0 : index
    %get3A_1 = arith.constant 0 : index
    %get3A_2 = vector.load %arg0[%get3A, %get3A_0, %get3A_1] : memref<4x3x8192xf32, #tpu.memory_space<vmem>>, vector<4x1x8192xf32>
    %get3A_3 = vector.shape_cast %get3A_2 : vector<4x1x8192xf32> to vector<4x8192xf32>
    %get3A_4 = arith.constant 0 : index
    %get3A_5 = arith.constant 1 : index
    %get3A_6 = arith.constant 0 : index
    %get3A_7 = vector.load %arg0[%get3A_4, %get3A_5, %get3A_6] : memref<4x3x8192xf32, #tpu.memory_space<vmem>>, vector<4x1x8192xf32>
    %get3A_8 = vector.shape_cast %get3A_7 : vector<4x1x8192xf32> to vector<4x8192xf32>
    %get3A_9 = arith.constant 0 : index
    %get3A_10 = arith.constant 2 : index
    %get3A_11 = arith.constant 0 : index
    %get3A_12 = vector.load %arg0[%get3A_9, %get3A_10, %get3A_11] : memref<4x3x8192xf32, #tpu.memory_space<vmem>>, vector<4x1x8192xf32>
    %get3A_13 = vector.shape_cast %get3A_12 : vector<4x1x8192xf32> to vector<4x8192xf32>
    %iota3A = tpu.iota {dimensions = array<i32: 1>} : vector<4x8192xi32>
    %iota3A_14 = tpu.iota {dimensions = array<i32: 1>} : vector<4x128xi32>
    %broadcast_in_dim3A = arith.constant 1.000000e+10 : f32
    %broadcast_in_dim3A_15 = vector.broadcast %broadcast_in_dim3A : f32 to vector<4x8192xf32>
    %swap3A = arith.constant 0 : index
    %swap3A_16 = arith.constant 0 : index
    %swap3A_17 = vector.load %arg3[%swap3A, %swap3A_16] : memref<4x8192xf32, #tpu.memory_space<vmem>>, vector<4x8192xf32>
    tpu.vector_store %arg3[%swap3A, %swap3A_16], %broadcast_in_dim3A_15 {strides = array<i32>} : memref<4x8192xf32, #tpu.memory_space<vmem>>, vector<4x8192xf32>,
    %broadcast_in_dim3A_18 = arith.constant 0 : i32
    %broadcast_in_dim3A_19 = vector.broadcast %broadcast_in_dim3A_18 : i32 to vector<4x128xi32>
    %broadcast_in_dim3A_20 = arith.constant 0.000000e+00 : f32
    %broadcast_in_dim3A_21 = vector.broadcast %broadcast_in_dim3A_20 : f32 to vector<4x128xf32>
    %slice3A = vector.extract_strided_slice %get3A_3 {offsets = [0, 0], sizes = [4, 1], strides = [1, 1]} : vector<4x8192xf32> to vector<4x1xf32>
    %slice3A_22 = vector.extract_strided_slice %get3A_8 {offsets = [0, 0], sizes = [4, 1], strides = [1, 1]} : vector<4x8192xf32> to vector<4x1xf32>
    %slice3A_23 = vector.extract_strided_slice %get3A_13 {offsets = [0, 0], sizes = [4, 1], strides = [1, 1]} : vector<4x8192xf32> to vector<4x1xf32>
    %eq3A = arith.constant 0 : i32
    %eq3A_24 = vector.broadcast %eq3A : i32 to vector<4x128xi32>
    %eq3A_25 = arith.cmpi eq, %iota3A_14, %eq3A_24 : vector<4x128xi32>
    %slice3A_26 = vector.extract_strided_slice %get3A_3 {offsets = [0, 0], sizes = [4, 1], strides = [1, 1]} : vector<4x8192xf32> to vector<4x1xf32>
    %broadcast_in_dim3A_27 = vector.shape_cast %slice3A_26 : vector<4x1xf32> to vector<4x1xf32>
    %broadcast_in_dim3A_28 = vector.broadcast %broadcast_in_dim3A_27 : vector<4x1xf32> to vector<4x128xf32>
    %select_n3A = arith.select %eq3A_25, %broadcast_in_dim3A_28, %broadcast_in_dim3A_21 : vector<4x128xi1>, vector<4x128xf32>
    %eq3A_29 = arith.constant 0 : i32
    %eq3A_30 = vector.broadcast %eq3A_29 : i32 to vector<4x128xi32>
    %eq3A_31 = arith.cmpi eq, %iota3A_14, %eq3A_30 : vector<4x128xi32>
    %slice3A_32 = vector.extract_strided_slice %get3A_8 {offsets = [0, 0], sizes = [4, 1], strides = [1, 1]} : vector<4x8192xf32> to vector<4x1xf32>
    %broadcast_in_dim3A_33 = vector.shape_cast %slice3A_32 : vector<4x1xf32> to vector<4x1xf32>
    %broadcast_in_dim3A_34 = vector.broadcast %broadcast_in_dim3A_33 : vector<4x1xf32> to vector<4x128xf32>
    %select_n3A_35 = arith.select %eq3A_31, %broadcast_in_dim3A_34, %broadcast_in_dim3A_21 : vector<4x128xi1>, vector<4x128xf32>
    %eq3A_36 = arith.constant 0 : i32
    %eq3A_37 = vector.broadcast %eq3A_36 : i32 to vector<4x128xi32>
    %eq3A_38 = arith.cmpi eq, %iota3A_14, %eq3A_37 : vector<4x128xi32>
    %slice3A_39 = vector.extract_strided_slice %get3A_13 {offsets = [0, 0], sizes = [4, 1], strides = [1, 1]} : vector<4x8192xf32> to vector<4x1xf32>
    %broadcast_in_dim3A_40 = vector.shape_cast %slice3A_39 : vector<4x1xf32> to vector<4x1xf32>
    %broadcast_in_dim3A_41 = vector.broadcast %broadcast_in_dim3A_40 : vector<4x1xf32> to vector<4x128xf32>
    %select_n3A_42 = arith.select %eq3A_38, %broadcast_in_dim3A_41, %broadcast_in_dim3A_21 : vector<4x128xi1>, vector<4x128xf32>
    %scan3A = arith.constant 1 : i32
    %scan3A_43 = arith.constant 127 : i32
    %scan3A_44 = arith.addi %scan3A, %scan3A_43 : i32
    %scan3A_45 = arith.constant 1 : i32
    %scan3A_46:7 = scf.for %scan3A_258 = %scan3A to %scan3A_44 step %scan3A_45 iter_args(%scan3A_259 = %slice3A, %scan3A_260 = %slice3A_22, %scan3A_261 = %slice3A_23, %scan3A_262 = %broadcast_in_dim3A_19, %scan3A_263 = %select_n3A, %scan3A_264 = %select_n3A_35, %scan3A_265 = %select_n3A_42) -> (vector<4x1xf32>, vector<4x1xf32>, vector<4x1xf32>, vector<4x128xi32>, vector<4x128xf32>, vector<4x128xf32>, vector<4x128xf32>)  : i32 {
      %sub3A = vector.broadcast %scan3A_259 : vector<4x1xf32> to vector<4x8192xf32>
      %sub3A_266 = arith.subf %get3A_3, %sub3A : vector<4x8192xf32>
      %sub3A_267 = vector.broadcast %scan3A_260 : vector<4x1xf32> to vector<4x8192xf32>
      %sub3A_268 = arith.subf %get3A_8, %sub3A_267 : vector<4x8192xf32>
      %sub3A_269 = vector.broadcast %scan3A_261 : vector<4x1xf32> to vector<4x8192xf32>
      %sub3A_270 = arith.subf %get3A_13, %sub3A_269 : vector<4x8192xf32>
      %mul3A = arith.mulf %sub3A_266, %sub3A_266 : vector<4x8192xf32>
      %mul3A_271 = arith.mulf %sub3A_268, %sub3A_268 : vector<4x8192xf32>
      %add3A = arith.addf %mul3A, %mul3A_271 : vector<4x8192xf32>
      %mul3A_272 = arith.mulf %sub3A_270, %sub3A_270 : vector<4x8192xf32>
      %add3A_273 = arith.addf %add3A, %mul3A_272 : vector<4x8192xf32>
      %get3A_274 = arith.constant 0 : index
      %get3A_275 = arith.constant 0 : index
      %get3A_276 = vector.load %arg3[%get3A_274, %get3A_275] : memref<4x8192xf32, #tpu.memory_space<vmem>>, vector<4x8192xf32>
      %min3A = arith.minimumf %get3A_276, %add3A_273 : vector<4x8192xf32>
      %swap3A_277 = arith.constant 0 : index
      %swap3A_278 = arith.constant 0 : index
      %swap3A_279 = vector.load %arg3[%swap3A_277, %swap3A_278] : memref<4x8192xf32, #tpu.memory_space<vmem>>, vector<4x8192xf32>
      tpu.vector_store %arg3[%swap3A_277, %swap3A_278], %min3A {strides = array<i32>} : memref<4x8192xf32, #tpu.memory_space<vmem>>, vector<4x8192xf32>,
      %reduce_max3A = arith.constant dense<0xFF800000> : vector<4xf32>
      %reduce_max3A_280 = vector.multi_reduction <maximumf>, %min3A, %reduce_max3A [1] : vector<4x8192xf32> to vector<4xf32>
      %broadcast_in_dim3A_281 = vector.shape_cast %reduce_max3A_280 : vector<4xf32> to vector<4x1xf32>
      %eq3A_282 = vector.broadcast %broadcast_in_dim3A_281 : vector<4x1xf32> to vector<4x8192xf32>
      %eq3A_283 = arith.cmpf oeq, %min3A, %eq3A_282 : vector<4x8192xf32>
      %jit3A = arith.constant 8192 : i32
      %broadcast_in_dim3A_284 = vector.broadcast %jit3A : i32 to vector<4x8192xi32>
      %select_n3A_285 = arith.select %eq3A_283, %iota3A, %broadcast_in_dim3A_284 : vector<4x8192xi1>, vector<4x8192xi32>
      %reduce_min3A = arith.constant dense<2147483647> : vector<4xi32>
      %reduce_min3A_286 = vector.multi_reduction <minsi>, %select_n3A_285, %reduce_min3A [1] : vector<4x8192xi32> to vector<4xi32>
      %broadcast_in_dim3A_287 = vector.shape_cast %reduce_min3A_286 : vector<4xi32> to vector<4x1xi32>
      %eq3A_288 = vector.broadcast %broadcast_in_dim3A_287 : vector<4x1xi32> to vector<4x8192xi32>
      %eq3A_289 = arith.cmpi eq, %iota3A, %eq3A_288 : vector<4x8192xi32>
      %jit3A_290 = arith.constant 0.000000e+00 : f32
      %broadcast_in_dim3A_291 = vector.broadcast %jit3A_290 : f32 to vector<4x8192xf32>
      %select_n3A_292 = arith.select %eq3A_289, %get3A_3, %broadcast_in_dim3A_291 : vector<4x8192xi1>, vector<4x8192xf32>
      %reduce_sum3A = arith.constant dense<0.000000e+00> : vector<4xf32>
      %reduce_sum3A_293 = vector.multi_reduction <add>, %select_n3A_292, %reduce_sum3A [1] : vector<4x8192xf32> to vector<4xf32>
      %broadcast_in_dim3A_294 = vector.shape_cast %reduce_sum3A_293 : vector<4xf32> to vector<4x1xf32>
      %jit3A_295 = arith.constant 0.000000e+00 : f32
      %broadcast_in_dim3A_296 = vector.broadcast %jit3A_295 : f32 to vector<4x8192xf32>
      %select_n3A_297 = arith.select %eq3A_289, %get3A_8, %broadcast_in_dim3A_296 : vector<4x8192xi1>, vector<4x8192xf32>
      %reduce_sum3A_298 = arith.constant dense<0.000000e+00> : vector<4xf32>
      %reduce_sum3A_299 = vector.multi_reduction <add>, %select_n3A_297, %reduce_sum3A_298 [1] : vector<4x8192xf32> to vector<4xf32>
      %broadcast_in_dim3A_300 = vector.shape_cast %reduce_sum3A_299 : vector<4xf32> to vector<4x1xf32>
      %jit3A_301 = arith.constant 0.000000e+00 : f32
      %broadcast_in_dim3A_302 = vector.broadcast %jit3A_301 : f32 to vector<4x8192xf32>
      %select_n3A_303 = arith.select %eq3A_289, %get3A_13, %broadcast_in_dim3A_302 : vector<4x8192xi1>, vector<4x8192xf32>
      %reduce_sum3A_304 = arith.constant dense<0.000000e+00> : vector<4xf32>
      %reduce_sum3A_305 = vector.multi_reduction <add>, %select_n3A_303, %reduce_sum3A_304 [1] : vector<4x8192xf32> to vector<4xf32>
      %broadcast_in_dim3A_306 = vector.shape_cast %reduce_sum3A_305 : vector<4xf32> to vector<4x1xf32>
      %eq3A_307 = vector.broadcast %scan3A_258 : i32 to vector<4x128xi32>
      %eq3A_308 = arith.cmpi eq, %iota3A_14, %eq3A_307 : vector<4x128xi32>
      %broadcast_in_dim3A_309 = vector.shape_cast %broadcast_in_dim3A_287 : vector<4x1xi32> to vector<4x1xi32>
      %broadcast_in_dim3A_310 = vector.broadcast %broadcast_in_dim3A_309 : vector<4x1xi32> to vector<4x128xi32>
      %select_n3A_311 = arith.select %eq3A_308, %broadcast_in_dim3A_310, %scan3A_262 : vector<4x128xi1>, vector<4x128xi32>
      %broadcast_in_dim3A_312 = vector.shape_cast %broadcast_in_dim3A_294 : vector<4x1xf32> to vector<4x1xf32>
      %broadcast_in_dim3A_313 = vector.broadcast %broadcast_in_dim3A_312 : vector<4x1xf32> to vector<4x128xf32>
      %select_n3A_314 = arith.select %eq3A_308, %broadcast_in_dim3A_313, %scan3A_263 : vector<4x128xi1>, vector<4x128xf32>
      %broadcast_in_dim3A_315 = vector.shape_cast %broadcast_in_dim3A_300 : vector<4x1xf32> to vector<4x1xf32>
      %broadcast_in_dim3A_316 = vector.broadcast %broadcast_in_dim3A_315 : vector<4x1xf32> to vector<4x128xf32>
      %select_n3A_317 = arith.select %eq3A_308, %broadcast_in_dim3A_316, %scan3A_264 : vector<4x128xi1>, vector<4x128xf32>
      %broadcast_in_dim3A_318 = vector.shape_cast %broadcast_in_dim3A_306 : vector<4x1xf32> to vector<4x1xf32>
      %broadcast_in_dim3A_319 = vector.broadcast %broadcast_in_dim3A_318 : vector<4x1xf32> to vector<4x128xf32>
      %select_n3A_320 = arith.select %eq3A_308, %broadcast_in_dim3A_319, %scan3A_265 : vector<4x128xi1>, vector<4x128xf32>
      scf.yield %broadcast_in_dim3A_294, %broadcast_in_dim3A_300, %broadcast_in_dim3A_306, %select_n3A_311, %select_n3A_314, %select_n3A_317, %select_n3A_320 : vector<4x1xf32>, vector<4x1xf32>, vector<4x1xf32>, vector<4x128xi32>, vector<4x128xf32>, vector<4x128xf32>, vector<4x128xf32>
    }
    %scan3A_47 = arith.constant 127 : i32
    %swap3A_48 = arith.constant 0 : index
    %swap3A_49 = arith.constant 0 : index
    %swap3A_50 = vector.load %arg1[%swap3A_48, %swap3A_49] : memref<4x1024xi32, #tpu.memory_space<vmem>>, vector<4x128xi32>
    tpu.vector_store %arg1[%swap3A_48, %swap3A_49], %scan3A_46#3 {strides = array<i32>} : memref<4x1024xi32, #tpu.memory_space<vmem>>, vector<4x128xi32>,
    %swap3A_51 = arith.constant 0 : index
    %swap3A_52 = arith.constant 0 : index
    %swap3A_53 = arith.constant 0 : index
    %swap3A_54 = vector.load %arg2[%swap3A_51, %swap3A_52, %swap3A_53] : memref<4x3x1024xf32, #tpu.memory_space<vmem>>, vector<4x1x128xf32>
    %swap3A_55 = vector.shape_cast %swap3A_54 : vector<4x1x128xf32> to vector<4x128xf32>
    %swap3A_56 = vector.shape_cast %scan3A_46#4 : vector<4x128xf32> to vector<4x1x128xf32>
    tpu.vector_store %arg2[%swap3A_51, %swap3A_52, %swap3A_53], %swap3A_56 {strides = array<i32>} : memref<4x3x1024xf32, #tpu.memory_space<vmem>>, vector<4x1x128xf32>,
    %swap3A_57 = arith.constant 0 : index
    %swap3A_58 = arith.constant 1 : index
    %swap3A_59 = arith.constant 0 : index
    %swap3A_60 = vector.load %arg2[%swap3A_57, %swap3A_58, %swap3A_59] : memref<4x3x1024xf32, #tpu.memory_space<vmem>>, vector<4x1x128xf32>
    %swap3A_61 = vector.shape_cast %swap3A_60 : vector<4x1x128xf32> to vector<4x128xf32>
    %swap3A_62 = vector.shape_cast %scan3A_46#5 : vector<4x128xf32> to vector<4x1x128xf32>
    tpu.vector_store %arg2[%swap3A_57, %swap3A_58, %swap3A_59], %swap3A_62 {strides = array<i32>} : memref<4x3x1024xf32, #tpu.memory_space<vmem>>, vector<4x1x128xf32>,
    %swap3A_63 = arith.constant 0 : index
    %swap3A_64 = arith.constant 2 : index
    %swap3A_65 = arith.constant 0 : index
    %swap3A_66 = vector.load %arg2[%swap3A_63, %swap3A_64, %swap3A_65] : memref<4x3x1024xf32, #tpu.memory_space<vmem>>, vector<4x1x128xf32>
    %swap3A_67 = vector.shape_cast %swap3A_66 : vector<4x1x128xf32> to vector<4x128xf32>
    %swap3A_68 = vector.shape_cast %scan3A_46#6 : vector<4x128xf32> to vector<4x1x128xf32>
    tpu.vector_store %arg2[%swap3A_63, %swap3A_64, %swap3A_65], %swap3A_68 {strides = array<i32>} : memref<4x3x1024xf32, #tpu.memory_space<vmem>>, vector<4x1x128xf32>,
    %scan3A_69 = arith.constant 0 : i32
    %scan3A_70 = arith.constant 128 : i32
    %scan3A_71 = arith.addi %scan3A_69, %scan3A_70 : i32
    %scan3A_72 = arith.constant 1 : i32
    %scan3A_73:7 = scf.for %scan3A_258 = %scan3A_69 to %scan3A_71 step %scan3A_72 iter_args(%scan3A_259 = %scan3A_46#0, %scan3A_260 = %scan3A_46#1, %scan3A_261 = %scan3A_46#2, %scan3A_262 = %broadcast_in_dim3A_19, %scan3A_263 = %broadcast_in_dim3A_21, %scan3A_264 = %broadcast_in_dim3A_21, %scan3A_265 = %broadcast_in_dim3A_21) -> (vector<4x1xf32>, vector<4x1xf32>, vector<4x1xf32>, vector<4x128xi32>, vector<4x128xf32>, vector<4x128xf32>, vector<4x128xf32>)  : i32 {
      %sub3A = vector.broadcast %scan3A_259 : vector<4x1xf32> to vector<4x8192xf32>
      %sub3A_266 = arith.subf %get3A_3, %sub3A : vector<4x8192xf32>
      %sub3A_267 = vector.broadcast %scan3A_260 : vector<4x1xf32> to vector<4x8192xf32>
      %sub3A_268 = arith.subf %get3A_8, %sub3A_267 : vector<4x8192xf32>
      %sub3A_269 = vector.broadcast %scan3A_261 : vector<4x1xf32> to vector<4x8192xf32>
      %sub3A_270 = arith.subf %get3A_13, %sub3A_269 : vector<4x8192xf32>
      %mul3A = arith.mulf %sub3A_266, %sub3A_266 : vector<4x8192xf32>
      %mul3A_271 = arith.mulf %sub3A_268, %sub3A_268 : vector<4x8192xf32>
      %add3A = arith.addf %mul3A, %mul3A_271 : vector<4x8192xf32>
      %mul3A_272 = arith.mulf %sub3A_270, %sub3A_270 : vector<4x8192xf32>
      %add3A_273 = arith.addf %add3A, %mul3A_272 : vector<4x8192xf32>
      %get3A_274 = arith.constant 0 : index
      %get3A_275 = arith.constant 0 : index
      %get3A_276 = vector.load %arg3[%get3A_274, %get3A_275] : memref<4x8192xf32, #tpu.memory_space<vmem>>, vector<4x8192xf32>
      %min3A = arith.minimumf %get3A_276, %add3A_273 : vector<4x8192xf32>
      %swap3A_277 = arith.constant 0 : index
      %swap3A_278 = arith.constant 0 : index
      %swap3A_279 = vector.load %arg3[%swap3A_277, %swap3A_278] : memref<4x8192xf32, #tpu.memory_space<vmem>>, vector<4x8192xf32>
      tpu.vector_store %arg3[%swap3A_277, %swap3A_278], %min3A {strides = array<i32>} : memref<4x8192xf32, #tpu.memory_space<vmem>>, vector<4x8192xf32>,
      %reduce_max3A = arith.constant dense<0xFF800000> : vector<4xf32>
      %reduce_max3A_280 = vector.multi_reduction <maximumf>, %min3A, %reduce_max3A [1] : vector<4x8192xf32> to vector<4xf32>
      %broadcast_in_dim3A_281 = vector.shape_cast %reduce_max3A_280 : vector<4xf32> to vector<4x1xf32>
      %eq3A_282 = vector.broadcast %broadcast_in_dim3A_281 : vector<4x1xf32> to vector<4x8192xf32>
      %eq3A_283 = arith.cmpf oeq, %min3A, %eq3A_282 : vector<4x8192xf32>
      %jit3A = arith.constant 8192 : i32
      %broadcast_in_dim3A_284 = vector.broadcast %jit3A : i32 to vector<4x8192xi32>
      %select_n3A_285 = arith.select %eq3A_283, %iota3A, %broadcast_in_dim3A_284 : vector<4x8192xi1>, vector<4x8192xi32>
      %reduce_min3A = arith.constant dense<2147483647> : vector<4xi32>
      %reduce_min3A_286 = vector.multi_reduction <minsi>, %select_n3A_285, %reduce_min3A [1] : vector<4x8192xi32> to vector<4xi32>
      %broadcast_in_dim3A_287 = vector.shape_cast %reduce_min3A_286 : vector<4xi32> to vector<4x1xi32>
      %eq3A_288 = vector.broadcast %broadcast_in_dim3A_287 : vector<4x1xi32> to vector<4x8192xi32>
      %eq3A_289 = arith.cmpi eq, %iota3A, %eq3A_288 : vector<4x8192xi32>
      %jit3A_290 = arith.constant 0.000000e+00 : f32
      %broadcast_in_dim3A_291 = vector.broadcast %jit3A_290 : f32 to vector<4x8192xf32>
      %select_n3A_292 = arith.select %eq3A_289, %get3A_3, %broadcast_in_dim3A_291 : vector<4x8192xi1>, vector<4x8192xf32>
      %reduce_sum3A = arith.constant dense<0.000000e+00> : vector<4xf32>
      %reduce_sum3A_293 = vector.multi_reduction <add>, %select_n3A_292, %reduce_sum3A [1] : vector<4x8192xf32> to vector<4xf32>
      %broadcast_in_dim3A_294 = vector.shape_cast %reduce_sum3A_293 : vector<4xf32> to vector<4x1xf32>
      %jit3A_295 = arith.constant 0.000000e+00 : f32
      %broadcast_in_dim3A_296 = vector.broadcast %jit3A_295 : f32 to vector<4x8192xf32>
      %select_n3A_297 = arith.select %eq3A_289, %get3A_8, %broadcast_in_dim3A_296 : vector<4x8192xi1>, vector<4x8192xf32>
      %reduce_sum3A_298 = arith.constant dense<0.000000e+00> : vector<4xf32>
      %reduce_sum3A_299 = vector.multi_reduction <add>, %select_n3A_297, %reduce_sum3A_298 [1] : vector<4x8192xf32> to vector<4xf32>
      %broadcast_in_dim3A_300 = vector.shape_cast %reduce_sum3A_299 : vector<4xf32> to vector<4x1xf32>
      %jit3A_301 = arith.constant 0.000000e+00 : f32
      %broadcast_in_dim3A_302 = vector.broadcast %jit3A_301 : f32 to vector<4x8192xf32>
      %select_n3A_303 = arith.select %eq3A_289, %get3A_13, %broadcast_in_dim3A_302 : vector<4x8192xi1>, vector<4x8192xf32>
      %reduce_sum3A_304 = arith.constant dense<0.000000e+00> : vector<4xf32>
      %reduce_sum3A_305 = vector.multi_reduction <add>, %select_n3A_303, %reduce_sum3A_304 [1] : vector<4x8192xf32> to vector<4xf32>
      %broadcast_in_dim3A_306 = vector.shape_cast %reduce_sum3A_305 : vector<4xf32> to vector<4x1xf32>
      %eq3A_307 = vector.broadcast %scan3A_258 : i32 to vector<4x128xi32>
      %eq3A_308 = arith.cmpi eq, %iota3A_14, %eq3A_307 : vector<4x128xi32>
      %broadcast_in_dim3A_309 = vector.shape_cast %broadcast_in_dim3A_287 : vector<4x1xi32> to vector<4x1xi32>
      %broadcast_in_dim3A_310 = vector.broadcast %broadcast_in_dim3A_309 : vector<4x1xi32> to vector<4x128xi32>
      %select_n3A_311 = arith.select %eq3A_308, %broadcast_in_dim3A_310, %scan3A_262 : vector<4x128xi1>, vector<4x128xi32>
      %broadcast_in_dim3A_312 = vector.shape_cast %broadcast_in_dim3A_294 : vector<4x1xf32> to vector<4x1xf32>
      %broadcast_in_dim3A_313 = vector.broadcast %broadcast_in_dim3A_312 : vector<4x1xf32> to vector<4x128xf32>
      %select_n3A_314 = arith.select %eq3A_308, %broadcast_in_dim3A_313, %scan3A_263 : vector<4x128xi1>, vector<4x128xf32>
      %broadcast_in_dim3A_315 = vector.shape_cast %broadcast_in_dim3A_300 : vector<4x1xf32> to vector<4x1xf32>
      %broadcast_in_dim3A_316 = vector.broadcast %broadcast_in_dim3A_315 : vector<4x1xf32> to vector<4x128xf32>
      %select_n3A_317 = arith.select %eq3A_308, %broadcast_in_dim3A_316, %scan3A_264 : vector<4x128xi1>, vector<4x128xf32>
      %broadcast_in_dim3A_318 = vector.shape_cast %broadcast_in_dim3A_306 : vector<4x1xf32> to vector<4x1xf32>
      %broadcast_in_dim3A_319 = vector.broadcast %broadcast_in_dim3A_318 : vector<4x1xf32> to vector<4x128xf32>
      %select_n3A_320 = arith.select %eq3A_308, %broadcast_in_dim3A_319, %scan3A_265 : vector<4x128xi1>, vector<4x128xf32>
      scf.yield %broadcast_in_dim3A_294, %broadcast_in_dim3A_300, %broadcast_in_dim3A_306, %select_n3A_311, %select_n3A_314, %select_n3A_317, %select_n3A_320 : vector<4x1xf32>, vector<4x1xf32>, vector<4x1xf32>, vector<4x128xi32>, vector<4x128xf32>, vector<4x128xf32>, vector<4x128xf32>
    }
    %scan3A_74 = arith.constant 128 : i32
    %swap3A_75 = arith.constant 0 : index
    %swap3A_76 = arith.constant 128 : index
    %swap3A_77 = vector.load %arg1[%swap3A_75, %swap3A_76] : memref<4x1024xi32, #tpu.memory_space<vmem>>, vector<4x128xi32>
    tpu.vector_store %arg1[%swap3A_75, %swap3A_76], %scan3A_73#3 {strides = array<i32>} : memref<4x1024xi32, #tpu.memory_space<vmem>>, vector<4x128xi32>,
    %swap3A_78 = arith.constant 0 : index
    %swap3A_79 = arith.constant 0 : index
    %swap3A_80 = arith.constant 128 : index
    %swap3A_81 = vector.load %arg2[%swap3A_78, %swap3A_79, %swap3A_80] : memref<4x3x1024xf32, #tpu.memory_space<vmem>>, vector<4x1x128xf32>
    %swap3A_82 = vector.shape_cast %swap3A_81 : vector<4x1x128xf32> to vector<4x128xf32>
    %swap3A_83 = vector.shape_cast %scan3A_73#4 : vector<4x128xf32> to vector<4x1x128xf32>
    tpu.vector_store %arg2[%swap3A_78, %swap3A_79, %swap3A_80], %swap3A_83 {strides = array<i32>} : memref<4x3x1024xf32, #tpu.memory_space<vmem>>, vector<4x1x128xf32>,
    %swap3A_84 = arith.constant 0 : index
    %swap3A_85 = arith.constant 1 : index
    %swap3A_86 = arith.constant 128 : index
    %swap3A_87 = vector.load %arg2[%swap3A_84, %swap3A_85, %swap3A_86] : memref<4x3x1024xf32, #tpu.memory_space<vmem>>, vector<4x1x128xf32>
    %swap3A_88 = vector.shape_cast %swap3A_87 : vector<4x1x128xf32> to vector<4x128xf32>
    %swap3A_89 = vector.shape_cast %scan3A_73#5 : vector<4x128xf32> to vector<4x1x128xf32>
    tpu.vector_store %arg2[%swap3A_84, %swap3A_85, %swap3A_86], %swap3A_89 {strides = array<i32>} : memref<4x3x1024xf32, #tpu.memory_space<vmem>>, vector<4x1x128xf32>,
    %swap3A_90 = arith.constant 0 : index
    %swap3A_91 = arith.constant 2 : index
    %swap3A_92 = arith.constant 128 : index
    %swap3A_93 = vector.load %arg2[%swap3A_90, %swap3A_91, %swap3A_92] : memref<4x3x1024xf32, #tpu.memory_space<vmem>>, vector<4x1x128xf32>
    %swap3A_94 = vector.shape_cast %swap3A_93 : vector<4x1x128xf32> to vector<4x128xf32>
    %swap3A_95 = vector.shape_cast %scan3A_73#6 : vector<4x128xf32> to vector<4x1x128xf32>
    tpu.vector_store %arg2[%swap3A_90, %swap3A_91, %swap3A_92], %swap3A_95 {strides = array<i32>} : memref<4x3x1024xf32, #tpu.memory_space<vmem>>, vector<4x1x128xf32>,
    %scan3A_96 = arith.constant 0 : i32
    %scan3A_97 = arith.constant 128 : i32
    %scan3A_98 = arith.addi %scan3A_96, %scan3A_97 : i32
    %scan3A_99 = arith.constant 1 : i32
    %scan3A_100:7 = scf.for %scan3A_258 = %scan3A_96 to %scan3A_98 step %scan3A_99 iter_args(%scan3A_259 = %scan3A_73#0, %scan3A_260 = %scan3A_73#1, %scan3A_261 = %scan3A_73#2, %scan3A_262 = %broadcast_in_dim3A_19, %scan3A_263 = %broadcast_in_dim3A_21, %scan3A_264 = %broadcast_in_dim3A_21, %scan3A_265 = %broadcast_in_dim3A_21) -> (vector<4x1xf32>, vector<4x1xf32>, vector<4x1xf32>, vector<4x128xi32>, vector<4x128xf32>, vector<4x128xf32>, vector<4x128xf32>)  : i32 {
      %sub3A = vector.broadcast %scan3A_259 : vector<4x1xf32> to vector<4x8192xf32>
      %sub3A_266 = arith.subf %get3A_3, %sub3A : vector<4x8192xf32>
      %sub3A_267 = vector.broadcast %scan3A_260 : vector<4x1xf32> to vector<4x8192xf32>
      %sub3A_268 = arith.subf %get3A_8, %sub3A_267 : vector<4x8192xf32>
      %sub3A_269 = vector.broadcast %scan3A_261 : vector<4x1xf32> to vector<4x8192xf32>
      %sub3A_270 = arith.subf %get3A_13, %sub3A_269 : vector<4x8192xf32>
      %mul3A = arith.mulf %sub3A_266, %sub3A_266 : vector<4x8192xf32>
      %mul3A_271 = arith.mulf %sub3A_268, %sub3A_268 : vector<4x8192xf32>
      %add3A = arith.addf %mul3A, %mul3A_271 : vector<4x8192xf32>
      %mul3A_272 = arith.mulf %sub3A_270, %sub3A_270 : vector<4x8192xf32>
      %add3A_273 = arith.addf %add3A, %mul3A_272 : vector<4x8192xf32>
      %get3A_274 = arith.constant 0 : index
      %get3A_275 = arith.constant 0 : index
      %get3A_276 = vector.load %arg3[%get3A_274, %get3A_275] : memref<4x8192xf32, #tpu.memory_space<vmem>>, vector<4x8192xf32>
      %min3A = arith.minimumf %get3A_276, %add3A_273 : vector<4x8192xf32>
      %swap3A_277 = arith.constant 0 : index
      %swap3A_278 = arith.constant 0 : index
      %swap3A_279 = vector.load %arg3[%swap3A_277, %swap3A_278] : memref<4x8192xf32, #tpu.memory_space<vmem>>, vector<4x8192xf32>
      tpu.vector_store %arg3[%swap3A_277, %swap3A_278], %min3A {strides = array<i32>} : memref<4x8192xf32, #tpu.memory_space<vmem>>, vector<4x8192xf32>,
      %reduce_max3A = arith.constant dense<0xFF800000> : vector<4xf32>
      %reduce_max3A_280 = vector.multi_reduction <maximumf>, %min3A, %reduce_max3A [1] : vector<4x8192xf32> to vector<4xf32>
      %broadcast_in_dim3A_281 = vector.shape_cast %reduce_max3A_280 : vector<4xf32> to vector<4x1xf32>
      %eq3A_282 = vector.broadcast %broadcast_in_dim3A_281 : vector<4x1xf32> to vector<4x8192xf32>
      %eq3A_283 = arith.cmpf oeq, %min3A, %eq3A_282 : vector<4x8192xf32>
      %jit3A = arith.constant 8192 : i32
      %broadcast_in_dim3A_284 = vector.broadcast %jit3A : i32 to vector<4x8192xi32>
      %select_n3A_285 = arith.select %eq3A_283, %iota3A, %broadcast_in_dim3A_284 : vector<4x8192xi1>, vector<4x8192xi32>
      %reduce_min3A = arith.constant dense<2147483647> : vector<4xi32>
      %reduce_min3A_286 = vector.multi_reduction <minsi>, %select_n3A_285, %reduce_min3A [1] : vector<4x8192xi32> to vector<4xi32>
      %broadcast_in_dim3A_287 = vector.shape_cast %reduce_min3A_286 : vector<4xi32> to vector<4x1xi32>
      %eq3A_288 = vector.broadcast %broadcast_in_dim3A_287 : vector<4x1xi32> to vector<4x8192xi32>
      %eq3A_289 = arith.cmpi eq, %iota3A, %eq3A_288 : vector<4x8192xi32>
      %jit3A_290 = arith.constant 0.000000e+00 : f32
      %broadcast_in_dim3A_291 = vector.broadcast %jit3A_290 : f32 to vector<4x8192xf32>
      %select_n3A_292 = arith.select %eq3A_289, %get3A_3, %broadcast_in_dim3A_291 : vector<4x8192xi1>, vector<4x8192xf32>
      %reduce_sum3A = arith.constant dense<0.000000e+00> : vector<4xf32>
      %reduce_sum3A_293 = vector.multi_reduction <add>, %select_n3A_292, %reduce_sum3A [1] : vector<4x8192xf32> to vector<4xf32>
      %broadcast_in_dim3A_294 = vector.shape_cast %reduce_sum3A_293 : vector<4xf32> to vector<4x1xf32>
      %jit3A_295 = arith.constant 0.000000e+00 : f32
      %broadcast_in_dim3A_296 = vector.broadcast %jit3A_295 : f32 to vector<4x8192xf32>
      %select_n3A_297 = arith.select %eq3A_289, %get3A_8, %broadcast_in_dim3A_296 : vector<4x8192xi1>, vector<4x8192xf32>
      %reduce_sum3A_298 = arith.constant dense<0.000000e+00> : vector<4xf32>
      %reduce_sum3A_299 = vector.multi_reduction <add>, %select_n3A_297, %reduce_sum3A_298 [1] : vector<4x8192xf32> to vector<4xf32>
      %broadcast_in_dim3A_300 = vector.shape_cast %reduce_sum3A_299 : vector<4xf32> to vector<4x1xf32>
      %jit3A_301 = arith.constant 0.000000e+00 : f32
      %broadcast_in_dim3A_302 = vector.broadcast %jit3A_301 : f32 to vector<4x8192xf32>
      %select_n3A_303 = arith.select %eq3A_289, %get3A_13, %broadcast_in_dim3A_302 : vector<4x8192xi1>, vector<4x8192xf32>
      %reduce_sum3A_304 = arith.constant dense<0.000000e+00> : vector<4xf32>
      %reduce_sum3A_305 = vector.multi_reduction <add>, %select_n3A_303, %reduce_sum3A_304 [1] : vector<4x8192xf32> to vector<4xf32>
      %broadcast_in_dim3A_306 = vector.shape_cast %reduce_sum3A_305 : vector<4xf32> to vector<4x1xf32>
      %eq3A_307 = vector.broadcast %scan3A_258 : i32 to vector<4x128xi32>
      %eq3A_308 = arith.cmpi eq, %iota3A_14, %eq3A_307 : vector<4x128xi32>
      %broadcast_in_dim3A_309 = vector.shape_cast %broadcast_in_dim3A_287 : vector<4x1xi32> to vector<4x1xi32>
      %broadcast_in_dim3A_310 = vector.broadcast %broadcast_in_dim3A_309 : vector<4x1xi32> to vector<4x128xi32>
      %select_n3A_311 = arith.select %eq3A_308, %broadcast_in_dim3A_310, %scan3A_262 : vector<4x128xi1>, vector<4x128xi32>
      %broadcast_in_dim3A_312 = vector.shape_cast %broadcast_in_dim3A_294 : vector<4x1xf32> to vector<4x1xf32>
      %broadcast_in_dim3A_313 = vector.broadcast %broadcast_in_dim3A_312 : vector<4x1xf32> to vector<4x128xf32>
      %select_n3A_314 = arith.select %eq3A_308, %broadcast_in_dim3A_313, %scan3A_263 : vector<4x128xi1>, vector<4x128xf32>
      %broadcast_in_dim3A_315 = vector.shape_cast %broadcast_in_dim3A_300 : vector<4x1xf32> to vector<4x1xf32>
      %broadcast_in_dim3A_316 = vector.broadcast %broadcast_in_dim3A_315 : vector<4x1xf32> to vector<4x128xf32>
      %select_n3A_317 = arith.select %eq3A_308, %broadcast_in_dim3A_316, %scan3A_264 : vector<4x128xi1>, vector<4x128xf32>
      %broadcast_in_dim3A_318 = vector.shape_cast %broadcast_in_dim3A_306 : vector<4x1xf32> to vector<4x1xf32>
      %broadcast_in_dim3A_319 = vector.broadcast %broadcast_in_dim3A_318 : vector<4x1xf32> to vector<4x128xf32>
      %select_n3A_320 = arith.select %eq3A_308, %broadcast_in_dim3A_319, %scan3A_265 : vector<4x128xi1>, vector<4x128xf32>
      scf.yield %broadcast_in_dim3A_294, %broadcast_in_dim3A_300, %broadcast_in_dim3A_306, %select_n3A_311, %select_n3A_314, %select_n3A_317, %select_n3A_320 : vector<4x1xf32>, vector<4x1xf32>, vector<4x1xf32>, vector<4x128xi32>, vector<4x128xf32>, vector<4x128xf32>, vector<4x128xf32>
    }
    %scan3A_101 = arith.constant 128 : i32
    %swap3A_102 = arith.constant 0 : index
    %swap3A_103 = arith.constant 256 : index
    %swap3A_104 = vector.load %arg1[%swap3A_102, %swap3A_103] : memref<4x1024xi32, #tpu.memory_space<vmem>>, vector<4x128xi32>
    tpu.vector_store %arg1[%swap3A_102, %swap3A_103], %scan3A_100#3 {strides = array<i32>} : memref<4x1024xi32, #tpu.memory_space<vmem>>, vector<4x128xi32>,
    %swap3A_105 = arith.constant 0 : index
    %swap3A_106 = arith.constant 0 : index
    %swap3A_107 = arith.constant 256 : index
    %swap3A_108 = vector.load %arg2[%swap3A_105, %swap3A_106, %swap3A_107] : memref<4x3x1024xf32, #tpu.memory_space<vmem>>, vector<4x1x128xf32>
    %swap3A_109 = vector.shape_cast %swap3A_108 : vector<4x1x128xf32> to vector<4x128xf32>
    %swap3A_110 = vector.shape_cast %scan3A_100#4 : vector<4x128xf32> to vector<4x1x128xf32>
    tpu.vector_store %arg2[%swap3A_105, %swap3A_106, %swap3A_107], %swap3A_110 {strides = array<i32>} : memref<4x3x1024xf32, #tpu.memory_space<vmem>>, vector<4x1x128xf32>,
    %swap3A_111 = arith.constant 0 : index
    %swap3A_112 = arith.constant 1 : index
    %swap3A_113 = arith.constant 256 : index
    %swap3A_114 = vector.load %arg2[%swap3A_111, %swap3A_112, %swap3A_113] : memref<4x3x1024xf32, #tpu.memory_space<vmem>>, vector<4x1x128xf32>
    %swap3A_115 = vector.shape_cast %swap3A_114 : vector<4x1x128xf32> to vector<4x128xf32>
    %swap3A_116 = vector.shape_cast %scan3A_100#5 : vector<4x128xf32> to vector<4x1x128xf32>
    tpu.vector_store %arg2[%swap3A_111, %swap3A_112, %swap3A_113], %swap3A_116 {strides = array<i32>} : memref<4x3x1024xf32, #tpu.memory_space<vmem>>, vector<4x1x128xf32>,
    %swap3A_117 = arith.constant 0 : index
    %swap3A_118 = arith.constant 2 : index
    %swap3A_119 = arith.constant 256 : index
    %swap3A_120 = vector.load %arg2[%swap3A_117, %swap3A_118, %swap3A_119] : memref<4x3x1024xf32, #tpu.memory_space<vmem>>, vector<4x1x128xf32>
    %swap3A_121 = vector.shape_cast %swap3A_120 : vector<4x1x128xf32> to vector<4x128xf32>
    %swap3A_122 = vector.shape_cast %scan3A_100#6 : vector<4x128xf32> to vector<4x1x128xf32>
    tpu.vector_store %arg2[%swap3A_117, %swap3A_118, %swap3A_119], %swap3A_122 {strides = array<i32>} : memref<4x3x1024xf32, #tpu.memory_space<vmem>>, vector<4x1x128xf32>,
    %scan3A_123 = arith.constant 0 : i32
    %scan3A_124 = arith.constant 128 : i32
    %scan3A_125 = arith.addi %scan3A_123, %scan3A_124 : i32
    %scan3A_126 = arith.constant 1 : i32
    %scan3A_127:7 = scf.for %scan3A_258 = %scan3A_123 to %scan3A_125 step %scan3A_126 iter_args(%scan3A_259 = %scan3A_100#0, %scan3A_260 = %scan3A_100#1, %scan3A_261 = %scan3A_100#2, %scan3A_262 = %broadcast_in_dim3A_19, %scan3A_263 = %broadcast_in_dim3A_21, %scan3A_264 = %broadcast_in_dim3A_21, %scan3A_265 = %broadcast_in_dim3A_21) -> (vector<4x1xf32>, vector<4x1xf32>, vector<4x1xf32>, vector<4x128xi32>, vector<4x128xf32>, vector<4x128xf32>, vector<4x128xf32>)  : i32 {
      %sub3A = vector.broadcast %scan3A_259 : vector<4x1xf32> to vector<4x8192xf32>
      %sub3A_266 = arith.subf %get3A_3, %sub3A : vector<4x8192xf32>
      %sub3A_267 = vector.broadcast %scan3A_260 : vector<4x1xf32> to vector<4x8192xf32>
      %sub3A_268 = arith.subf %get3A_8, %sub3A_267 : vector<4x8192xf32>
      %sub3A_269 = vector.broadcast %scan3A_261 : vector<4x1xf32> to vector<4x8192xf32>
      %sub3A_270 = arith.subf %get3A_13, %sub3A_269 : vector<4x8192xf32>
      %mul3A = arith.mulf %sub3A_266, %sub3A_266 : vector<4x8192xf32>
      %mul3A_271 = arith.mulf %sub3A_268, %sub3A_268 : vector<4x8192xf32>
      %add3A = arith.addf %mul3A, %mul3A_271 : vector<4x8192xf32>
      %mul3A_272 = arith.mulf %sub3A_270, %sub3A_270 : vector<4x8192xf32>
      %add3A_273 = arith.addf %add3A, %mul3A_272 : vector<4x8192xf32>
      %get3A_274 = arith.constant 0 : index
      %get3A_275 = arith.constant 0 : index
      %get3A_276 = vector.load %arg3[%get3A_274, %get3A_275] : memref<4x8192xf32, #tpu.memory_space<vmem>>, vector<4x8192xf32>
      %min3A = arith.minimumf %get3A_276, %add3A_273 : vector<4x8192xf32>
      %swap3A_277 = arith.constant 0 : index
      %swap3A_278 = arith.constant 0 : index
      %swap3A_279 = vector.load %arg3[%swap3A_277, %swap3A_278] : memref<4x8192xf32, #tpu.memory_space<vmem>>, vector<4x8192xf32>
      tpu.vector_store %arg3[%swap3A_277, %swap3A_278], %min3A {strides = array<i32>} : memref<4x8192xf32, #tpu.memory_space<vmem>>, vector<4x8192xf32>,
      %reduce_max3A = arith.constant dense<0xFF800000> : vector<4xf32>
      %reduce_max3A_280 = vector.multi_reduction <maximumf>, %min3A, %reduce_max3A [1] : vector<4x8192xf32> to vector<4xf32>
      %broadcast_in_dim3A_281 = vector.shape_cast %reduce_max3A_280 : vector<4xf32> to vector<4x1xf32>
      %eq3A_282 = vector.broadcast %broadcast_in_dim3A_281 : vector<4x1xf32> to vector<4x8192xf32>
      %eq3A_283 = arith.cmpf oeq, %min3A, %eq3A_282 : vector<4x8192xf32>
      %jit3A = arith.constant 8192 : i32
      %broadcast_in_dim3A_284 = vector.broadcast %jit3A : i32 to vector<4x8192xi32>
      %select_n3A_285 = arith.select %eq3A_283, %iota3A, %broadcast_in_dim3A_284 : vector<4x8192xi1>, vector<4x8192xi32>
      %reduce_min3A = arith.constant dense<2147483647> : vector<4xi32>
      %reduce_min3A_286 = vector.multi_reduction <minsi>, %select_n3A_285, %reduce_min3A [1] : vector<4x8192xi32> to vector<4xi32>
      %broadcast_in_dim3A_287 = vector.shape_cast %reduce_min3A_286 : vector<4xi32> to vector<4x1xi32>
      %eq3A_288 = vector.broadcast %broadcast_in_dim3A_287 : vector<4x1xi32> to vector<4x8192xi32>
      %eq3A_289 = arith.cmpi eq, %iota3A, %eq3A_288 : vector<4x8192xi32>
      %jit3A_290 = arith.constant 0.000000e+00 : f32
      %broadcast_in_dim3A_291 = vector.broadcast %jit3A_290 : f32 to vector<4x8192xf32>
      %select_n3A_292 = arith.select %eq3A_289, %get3A_3, %broadcast_in_dim3A_291 : vector<4x8192xi1>, vector<4x8192xf32>
      %reduce_sum3A = arith.constant dense<0.000000e+00> : vector<4xf32>
      %reduce_sum3A_293 = vector.multi_reduction <add>, %select_n3A_292, %reduce_sum3A [1] : vector<4x8192xf32> to vector<4xf32>
      %broadcast_in_dim3A_294 = vector.shape_cast %reduce_sum3A_293 : vector<4xf32> to vector<4x1xf32>
      %jit3A_295 = arith.constant 0.000000e+00 : f32
      %broadcast_in_dim3A_296 = vector.broadcast %jit3A_295 : f32 to vector<4x8192xf32>
      %select_n3A_297 = arith.select %eq3A_289, %get3A_8, %broadcast_in_dim3A_296 : vector<4x8192xi1>, vector<4x8192xf32>
      %reduce_sum3A_298 = arith.constant dense<0.000000e+00> : vector<4xf32>
      %reduce_sum3A_299 = vector.multi_reduction <add>, %select_n3A_297, %reduce_sum3A_298 [1] : vector<4x8192xf32> to vector<4xf32>
      %broadcast_in_dim3A_300 = vector.shape_cast %reduce_sum3A_299 : vector<4xf32> to vector<4x1xf32>
      %jit3A_301 = arith.constant 0.000000e+00 : f32
      %broadcast_in_dim3A_302 = vector.broadcast %jit3A_301 : f32 to vector<4x8192xf32>
      %select_n3A_303 = arith.select %eq3A_289, %get3A_13, %broadcast_in_dim3A_302 : vector<4x8192xi1>, vector<4x8192xf32>
      %reduce_sum3A_304 = arith.constant dense<0.000000e+00> : vector<4xf32>
      %reduce_sum3A_305 = vector.multi_reduction <add>, %select_n3A_303, %reduce_sum3A_304 [1] : vector<4x8192xf32> to vector<4xf32>
      %broadcast_in_dim3A_306 = vector.shape_cast %reduce_sum3A_305 : vector<4xf32> to vector<4x1xf32>
      %eq3A_307 = vector.broadcast %scan3A_258 : i32 to vector<4x128xi32>
      %eq3A_308 = arith.cmpi eq, %iota3A_14, %eq3A_307 : vector<4x128xi32>
      %broadcast_in_dim3A_309 = vector.shape_cast %broadcast_in_dim3A_287 : vector<4x1xi32> to vector<4x1xi32>
      %broadcast_in_dim3A_310 = vector.broadcast %broadcast_in_dim3A_309 : vector<4x1xi32> to vector<4x128xi32>
      %select_n3A_311 = arith.select %eq3A_308, %broadcast_in_dim3A_310, %scan3A_262 : vector<4x128xi1>, vector<4x128xi32>
      %broadcast_in_dim3A_312 = vector.shape_cast %broadcast_in_dim3A_294 : vector<4x1xf32> to vector<4x1xf32>
      %broadcast_in_dim3A_313 = vector.broadcast %broadcast_in_dim3A_312 : vector<4x1xf32> to vector<4x128xf32>
      %select_n3A_314 = arith.select %eq3A_308, %broadcast_in_dim3A_313, %scan3A_263 : vector<4x128xi1>, vector<4x128xf32>
      %broadcast_in_dim3A_315 = vector.shape_cast %broadcast_in_dim3A_300 : vector<4x1xf32> to vector<4x1xf32>
      %broadcast_in_dim3A_316 = vector.broadcast %broadcast_in_dim3A_315 : vector<4x1xf32> to vector<4x128xf32>
      %select_n3A_317 = arith.select %eq3A_308, %broadcast_in_dim3A_316, %scan3A_264 : vector<4x128xi1>, vector<4x128xf32>
      %broadcast_in_dim3A_318 = vector.shape_cast %broadcast_in_dim3A_306 : vector<4x1xf32> to vector<4x1xf32>
      %broadcast_in_dim3A_319 = vector.broadcast %broadcast_in_dim3A_318 : vector<4x1xf32> to vector<4x128xf32>
      %select_n3A_320 = arith.select %eq3A_308, %broadcast_in_dim3A_319, %scan3A_265 : vector<4x128xi1>, vector<4x128xf32>
      scf.yield %broadcast_in_dim3A_294, %broadcast_in_dim3A_300, %broadcast_in_dim3A_306, %select_n3A_311, %select_n3A_314, %select_n3A_317, %select_n3A_320 : vector<4x1xf32>, vector<4x1xf32>, vector<4x1xf32>, vector<4x128xi32>, vector<4x128xf32>, vector<4x128xf32>, vector<4x128xf32>
    }
    %scan3A_128 = arith.constant 128 : i32
    %swap3A_129 = arith.constant 0 : index
    %swap3A_130 = arith.constant 384 : index
    %swap3A_131 = vector.load %arg1[%swap3A_129, %swap3A_130] : memref<4x1024xi32, #tpu.memory_space<vmem>>, vector<4x128xi32>
    tpu.vector_store %arg1[%swap3A_129, %swap3A_130], %scan3A_127#3 {strides = array<i32>} : memref<4x1024xi32, #tpu.memory_space<vmem>>, vector<4x128xi32>,
    %swap3A_132 = arith.constant 0 : index
    %swap3A_133 = arith.constant 0 : index
    %swap3A_134 = arith.constant 384 : index
    %swap3A_135 = vector.load %arg2[%swap3A_132, %swap3A_133, %swap3A_134] : memref<4x3x1024xf32, #tpu.memory_space<vmem>>, vector<4x1x128xf32>
    %swap3A_136 = vector.shape_cast %swap3A_135 : vector<4x1x128xf32> to vector<4x128xf32>
    %swap3A_137 = vector.shape_cast %scan3A_127#4 : vector<4x128xf32> to vector<4x1x128xf32>
    tpu.vector_store %arg2[%swap3A_132, %swap3A_133, %swap3A_134], %swap3A_137 {strides = array<i32>} : memref<4x3x1024xf32, #tpu.memory_space<vmem>>, vector<4x1x128xf32>,
    %swap3A_138 = arith.constant 0 : index
    %swap3A_139 = arith.constant 1 : index
    %swap3A_140 = arith.constant 384 : index
    %swap3A_141 = vector.load %arg2[%swap3A_138, %swap3A_139, %swap3A_140] : memref<4x3x1024xf32, #tpu.memory_space<vmem>>, vector<4x1x128xf32>
    %swap3A_142 = vector.shape_cast %swap3A_141 : vector<4x1x128xf32> to vector<4x128xf32>
    %swap3A_143 = vector.shape_cast %scan3A_127#5 : vector<4x128xf32> to vector<4x1x128xf32>
    tpu.vector_store %arg2[%swap3A_138, %swap3A_139, %swap3A_140], %swap3A_143 {strides = array<i32>} : memref<4x3x1024xf32, #tpu.memory_space<vmem>>, vector<4x1x128xf32>,
    %swap3A_144 = arith.constant 0 : index
    %swap3A_145 = arith.constant 2 : index
    %swap3A_146 = arith.constant 384 : index
    %swap3A_147 = vector.load %arg2[%swap3A_144, %swap3A_145, %swap3A_146] : memref<4x3x1024xf32, #tpu.memory_space<vmem>>, vector<4x1x128xf32>
    %swap3A_148 = vector.shape_cast %swap3A_147 : vector<4x1x128xf32> to vector<4x128xf32>
    %swap3A_149 = vector.shape_cast %scan3A_127#6 : vector<4x128xf32> to vector<4x1x128xf32>
    tpu.vector_store %arg2[%swap3A_144, %swap3A_145, %swap3A_146], %swap3A_149 {strides = array<i32>} : memref<4x3x1024xf32, #tpu.memory_space<vmem>>, vector<4x1x128xf32>,
    %scan3A_150 = arith.constant 0 : i32
    %scan3A_151 = arith.constant 128 : i32
    %scan3A_152 = arith.addi %scan3A_150, %scan3A_151 : i32
    %scan3A_153 = arith.constant 1 : i32
    %scan3A_154:7 = scf.for %scan3A_258 = %scan3A_150 to %scan3A_152 step %scan3A_153 iter_args(%scan3A_259 = %scan3A_127#0, %scan3A_260 = %scan3A_127#1, %scan3A_261 = %scan3A_127#2, %scan3A_262 = %broadcast_in_dim3A_19, %scan3A_263 = %broadcast_in_dim3A_21, %scan3A_264 = %broadcast_in_dim3A_21, %scan3A_265 = %broadcast_in_dim3A_21) -> (vector<4x1xf32>, vector<4x1xf32>, vector<4x1xf32>, vector<4x128xi32>, vector<4x128xf32>, vector<4x128xf32>, vector<4x128xf32>)  : i32 {
      %sub3A = vector.broadcast %scan3A_259 : vector<4x1xf32> to vector<4x8192xf32>
      %sub3A_266 = arith.subf %get3A_3, %sub3A : vector<4x8192xf32>
      %sub3A_267 = vector.broadcast %scan3A_260 : vector<4x1xf32> to vector<4x8192xf32>
      %sub3A_268 = arith.subf %get3A_8, %sub3A_267 : vector<4x8192xf32>
      %sub3A_269 = vector.broadcast %scan3A_261 : vector<4x1xf32> to vector<4x8192xf32>
      %sub3A_270 = arith.subf %get3A_13, %sub3A_269 : vector<4x8192xf32>
      %mul3A = arith.mulf %sub3A_266, %sub3A_266 : vector<4x8192xf32>
      %mul3A_271 = arith.mulf %sub3A_268, %sub3A_268 : vector<4x8192xf32>
      %add3A = arith.addf %mul3A, %mul3A_271 : vector<4x8192xf32>
      %mul3A_272 = arith.mulf %sub3A_270, %sub3A_270 : vector<4x8192xf32>
      %add3A_273 = arith.addf %add3A, %mul3A_272 : vector<4x8192xf32>
      %get3A_274 = arith.constant 0 : index
      %get3A_275 = arith.constant 0 : index
      %get3A_276 = vector.load %arg3[%get3A_274, %get3A_275] : memref<4x8192xf32, #tpu.memory_space<vmem>>, vector<4x8192xf32>
      %min3A = arith.minimumf %get3A_276, %add3A_273 : vector<4x8192xf32>
      %swap3A_277 = arith.constant 0 : index
      %swap3A_278 = arith.constant 0 : index
      %swap3A_279 = vector.load %arg3[%swap3A_277, %swap3A_278] : memref<4x8192xf32, #tpu.memory_space<vmem>>, vector<4x8192xf32>
      tpu.vector_store %arg3[%swap3A_277, %swap3A_278], %min3A {strides = array<i32>} : memref<4x8192xf32, #tpu.memory_space<vmem>>, vector<4x8192xf32>,
      %reduce_max3A = arith.constant dense<0xFF800000> : vector<4xf32>
      %reduce_max3A_280 = vector.multi_reduction <maximumf>, %min3A, %reduce_max3A [1] : vector<4x8192xf32> to vector<4xf32>
      %broadcast_in_dim3A_281 = vector.shape_cast %reduce_max3A_280 : vector<4xf32> to vector<4x1xf32>
      %eq3A_282 = vector.broadcast %broadcast_in_dim3A_281 : vector<4x1xf32> to vector<4x8192xf32>
      %eq3A_283 = arith.cmpf oeq, %min3A, %eq3A_282 : vector<4x8192xf32>
      %jit3A = arith.constant 8192 : i32
      %broadcast_in_dim3A_284 = vector.broadcast %jit3A : i32 to vector<4x8192xi32>
      %select_n3A_285 = arith.select %eq3A_283, %iota3A, %broadcast_in_dim3A_284 : vector<4x8192xi1>, vector<4x8192xi32>
      %reduce_min3A = arith.constant dense<2147483647> : vector<4xi32>
      %reduce_min3A_286 = vector.multi_reduction <minsi>, %select_n3A_285, %reduce_min3A [1] : vector<4x8192xi32> to vector<4xi32>
      %broadcast_in_dim3A_287 = vector.shape_cast %reduce_min3A_286 : vector<4xi32> to vector<4x1xi32>
      %eq3A_288 = vector.broadcast %broadcast_in_dim3A_287 : vector<4x1xi32> to vector<4x8192xi32>
      %eq3A_289 = arith.cmpi eq, %iota3A, %eq3A_288 : vector<4x8192xi32>
      %jit3A_290 = arith.constant 0.000000e+00 : f32
      %broadcast_in_dim3A_291 = vector.broadcast %jit3A_290 : f32 to vector<4x8192xf32>
      %select_n3A_292 = arith.select %eq3A_289, %get3A_3, %broadcast_in_dim3A_291 : vector<4x8192xi1>, vector<4x8192xf32>
      %reduce_sum3A = arith.constant dense<0.000000e+00> : vector<4xf32>
      %reduce_sum3A_293 = vector.multi_reduction <add>, %select_n3A_292, %reduce_sum3A [1] : vector<4x8192xf32> to vector<4xf32>
      %broadcast_in_dim3A_294 = vector.shape_cast %reduce_sum3A_293 : vector<4xf32> to vector<4x1xf32>
      %jit3A_295 = arith.constant 0.000000e+00 : f32
      %broadcast_in_dim3A_296 = vector.broadcast %jit3A_295 : f32 to vector<4x8192xf32>
      %select_n3A_297 = arith.select %eq3A_289, %get3A_8, %broadcast_in_dim3A_296 : vector<4x8192xi1>, vector<4x8192xf32>
      %reduce_sum3A_298 = arith.constant dense<0.000000e+00> : vector<4xf32>
      %reduce_sum3A_299 = vector.multi_reduction <add>, %select_n3A_297, %reduce_sum3A_298 [1] : vector<4x8192xf32> to vector<4xf32>
      %broadcast_in_dim3A_300 = vector.shape_cast %reduce_sum3A_299 : vector<4xf32> to vector<4x1xf32>
      %jit3A_301 = arith.constant 0.000000e+00 : f32
      %broadcast_in_dim3A_302 = vector.broadcast %jit3A_301 : f32 to vector<4x8192xf32>
      %select_n3A_303 = arith.select %eq3A_289, %get3A_13, %broadcast_in_dim3A_302 : vector<4x8192xi1>, vector<4x8192xf32>
      %reduce_sum3A_304 = arith.constant dense<0.000000e+00> : vector<4xf32>
      %reduce_sum3A_305 = vector.multi_reduction <add>, %select_n3A_303, %reduce_sum3A_304 [1] : vector<4x8192xf32> to vector<4xf32>
      %broadcast_in_dim3A_306 = vector.shape_cast %reduce_sum3A_305 : vector<4xf32> to vector<4x1xf32>
      %eq3A_307 = vector.broadcast %scan3A_258 : i32 to vector<4x128xi32>
      %eq3A_308 = arith.cmpi eq, %iota3A_14, %eq3A_307 : vector<4x128xi32>
      %broadcast_in_dim3A_309 = vector.shape_cast %broadcast_in_dim3A_287 : vector<4x1xi32> to vector<4x1xi32>
      %broadcast_in_dim3A_310 = vector.broadcast %broadcast_in_dim3A_309 : vector<4x1xi32> to vector<4x128xi32>
      %select_n3A_311 = arith.select %eq3A_308, %broadcast_in_dim3A_310, %scan3A_262 : vector<4x128xi1>, vector<4x128xi32>
      %broadcast_in_dim3A_312 = vector.shape_cast %broadcast_in_dim3A_294 : vector<4x1xf32> to vector<4x1xf32>
      %broadcast_in_dim3A_313 = vector.broadcast %broadcast_in_dim3A_312 : vector<4x1xf32> to vector<4x128xf32>
      %select_n3A_314 = arith.select %eq3A_308, %broadcast_in_dim3A_313, %scan3A_263 : vector<4x128xi1>, vector<4x128xf32>
      %broadcast_in_dim3A_315 = vector.shape_cast %broadcast_in_dim3A_300 : vector<4x1xf32> to vector<4x1xf32>
      %broadcast_in_dim3A_316 = vector.broadcast %broadcast_in_dim3A_315 : vector<4x1xf32> to vector<4x128xf32>
      %select_n3A_317 = arith.select %eq3A_308, %broadcast_in_dim3A_316, %scan3A_264 : vector<4x128xi1>, vector<4x128xf32>
      %broadcast_in_dim3A_318 = vector.shape_cast %broadcast_in_dim3A_306 : vector<4x1xf32> to vector<4x1xf32>
      %broadcast_in_dim3A_319 = vector.broadcast %broadcast_in_dim3A_318 : vector<4x1xf32> to vector<4x128xf32>
      %select_n3A_320 = arith.select %eq3A_308, %broadcast_in_dim3A_319, %scan3A_265 : vector<4x128xi1>, vector<4x128xf32>
      scf.yield %broadcast_in_dim3A_294, %broadcast_in_dim3A_300, %broadcast_in_dim3A_306, %select_n3A_311, %select_n3A_314, %select_n3A_317, %select_n3A_320 : vector<4x1xf32>, vector<4x1xf32>, vector<4x1xf32>, vector<4x128xi32>, vector<4x128xf32>, vector<4x128xf32>, vector<4x128xf32>
    }
    %scan3A_155 = arith.constant 128 : i32
    %swap3A_156 = arith.constant 0 : index
    %swap3A_157 = arith.constant 512 : index
    %swap3A_158 = vector.load %arg1[%swap3A_156, %swap3A_157] : memref<4x1024xi32, #tpu.memory_space<vmem>>, vector<4x128xi32>
    tpu.vector_store %arg1[%swap3A_156, %swap3A_157], %scan3A_154#3 {strides = array<i32>} : memref<4x1024xi32, #tpu.memory_space<vmem>>, vector<4x128xi32>,
    %swap3A_159 = arith.constant 0 : index
    %swap3A_160 = arith.constant 0 : index
    %swap3A_161 = arith.constant 512 : index
    %swap3A_162 = vector.load %arg2[%swap3A_159, %swap3A_160, %swap3A_161] : memref<4x3x1024xf32, #tpu.memory_space<vmem>>, vector<4x1x128xf32>
    %swap3A_163 = vector.shape_cast %swap3A_162 : vector<4x1x128xf32> to vector<4x128xf32>
    %swap3A_164 = vector.shape_cast %scan3A_154#4 : vector<4x128xf32> to vector<4x1x128xf32>
    tpu.vector_store %arg2[%swap3A_159, %swap3A_160, %swap3A_161], %swap3A_164 {strides = array<i32>} : memref<4x3x1024xf32, #tpu.memory_space<vmem>>, vector<4x1x128xf32>,
    %swap3A_165 = arith.constant 0 : index
    %swap3A_166 = arith.constant 1 : index
    %swap3A_167 = arith.constant 512 : index
    %swap3A_168 = vector.load %arg2[%swap3A_165, %swap3A_166, %swap3A_167] : memref<4x3x1024xf32, #tpu.memory_space<vmem>>, vector<4x1x128xf32>
    %swap3A_169 = vector.shape_cast %swap3A_168 : vector<4x1x128xf32> to vector<4x128xf32>
    %swap3A_170 = vector.shape_cast %scan3A_154#5 : vector<4x128xf32> to vector<4x1x128xf32>
    tpu.vector_store %arg2[%swap3A_165, %swap3A_166, %swap3A_167], %swap3A_170 {strides = array<i32>} : memref<4x3x1024xf32, #tpu.memory_space<vmem>>, vector<4x1x128xf32>,
    %swap3A_171 = arith.constant 0 : index
    %swap3A_172 = arith.constant 2 : index
    %swap3A_173 = arith.constant 512 : index
    %swap3A_174 = vector.load %arg2[%swap3A_171, %swap3A_172, %swap3A_173] : memref<4x3x1024xf32, #tpu.memory_space<vmem>>, vector<4x1x128xf32>
    %swap3A_175 = vector.shape_cast %swap3A_174 : vector<4x1x128xf32> to vector<4x128xf32>
    %swap3A_176 = vector.shape_cast %scan3A_154#6 : vector<4x128xf32> to vector<4x1x128xf32>
    tpu.vector_store %arg2[%swap3A_171, %swap3A_172, %swap3A_173], %swap3A_176 {strides = array<i32>} : memref<4x3x1024xf32, #tpu.memory_space<vmem>>, vector<4x1x128xf32>,
    %scan3A_177 = arith.constant 0 : i32
    %scan3A_178 = arith.constant 128 : i32
    %scan3A_179 = arith.addi %scan3A_177, %scan3A_178 : i32
    %scan3A_180 = arith.constant 1 : i32
    %scan3A_181:7 = scf.for %scan3A_258 = %scan3A_177 to %scan3A_179 step %scan3A_180 iter_args(%scan3A_259 = %scan3A_154#0, %scan3A_260 = %scan3A_154#1, %scan3A_261 = %scan3A_154#2, %scan3A_262 = %broadcast_in_dim3A_19, %scan3A_263 = %broadcast_in_dim3A_21, %scan3A_264 = %broadcast_in_dim3A_21, %scan3A_265 = %broadcast_in_dim3A_21) -> (vector<4x1xf32>, vector<4x1xf32>, vector<4x1xf32>, vector<4x128xi32>, vector<4x128xf32>, vector<4x128xf32>, vector<4x128xf32>)  : i32 {
      %sub3A = vector.broadcast %scan3A_259 : vector<4x1xf32> to vector<4x8192xf32>
      %sub3A_266 = arith.subf %get3A_3, %sub3A : vector<4x8192xf32>
      %sub3A_267 = vector.broadcast %scan3A_260 : vector<4x1xf32> to vector<4x8192xf32>
      %sub3A_268 = arith.subf %get3A_8, %sub3A_267 : vector<4x8192xf32>
      %sub3A_269 = vector.broadcast %scan3A_261 : vector<4x1xf32> to vector<4x8192xf32>
      %sub3A_270 = arith.subf %get3A_13, %sub3A_269 : vector<4x8192xf32>
      %mul3A = arith.mulf %sub3A_266, %sub3A_266 : vector<4x8192xf32>
      %mul3A_271 = arith.mulf %sub3A_268, %sub3A_268 : vector<4x8192xf32>
      %add3A = arith.addf %mul3A, %mul3A_271 : vector<4x8192xf32>
      %mul3A_272 = arith.mulf %sub3A_270, %sub3A_270 : vector<4x8192xf32>
      %add3A_273 = arith.addf %add3A, %mul3A_272 : vector<4x8192xf32>
      %get3A_274 = arith.constant 0 : index
      %get3A_275 = arith.constant 0 : index
      %get3A_276 = vector.load %arg3[%get3A_274, %get3A_275] : memref<4x8192xf32, #tpu.memory_space<vmem>>, vector<4x8192xf32>
      %min3A = arith.minimumf %get3A_276, %add3A_273 : vector<4x8192xf32>
      %swap3A_277 = arith.constant 0 : index
      %swap3A_278 = arith.constant 0 : index
      %swap3A_279 = vector.load %arg3[%swap3A_277, %swap3A_278] : memref<4x8192xf32, #tpu.memory_space<vmem>>, vector<4x8192xf32>
      tpu.vector_store %arg3[%swap3A_277, %swap3A_278], %min3A {strides = array<i32>} : memref<4x8192xf32, #tpu.memory_space<vmem>>, vector<4x8192xf32>,
      %reduce_max3A = arith.constant dense<0xFF800000> : vector<4xf32>
      %reduce_max3A_280 = vector.multi_reduction <maximumf>, %min3A, %reduce_max3A [1] : vector<4x8192xf32> to vector<4xf32>
      %broadcast_in_dim3A_281 = vector.shape_cast %reduce_max3A_280 : vector<4xf32> to vector<4x1xf32>
      %eq3A_282 = vector.broadcast %broadcast_in_dim3A_281 : vector<4x1xf32> to vector<4x8192xf32>
      %eq3A_283 = arith.cmpf oeq, %min3A, %eq3A_282 : vector<4x8192xf32>
      %jit3A = arith.constant 8192 : i32
      %broadcast_in_dim3A_284 = vector.broadcast %jit3A : i32 to vector<4x8192xi32>
      %select_n3A_285 = arith.select %eq3A_283, %iota3A, %broadcast_in_dim3A_284 : vector<4x8192xi1>, vector<4x8192xi32>
      %reduce_min3A = arith.constant dense<2147483647> : vector<4xi32>
      %reduce_min3A_286 = vector.multi_reduction <minsi>, %select_n3A_285, %reduce_min3A [1] : vector<4x8192xi32> to vector<4xi32>
      %broadcast_in_dim3A_287 = vector.shape_cast %reduce_min3A_286 : vector<4xi32> to vector<4x1xi32>
      %eq3A_288 = vector.broadcast %broadcast_in_dim3A_287 : vector<4x1xi32> to vector<4x8192xi32>
      %eq3A_289 = arith.cmpi eq, %iota3A, %eq3A_288 : vector<4x8192xi32>
      %jit3A_290 = arith.constant 0.000000e+00 : f32
      %broadcast_in_dim3A_291 = vector.broadcast %jit3A_290 : f32 to vector<4x8192xf32>
      %select_n3A_292 = arith.select %eq3A_289, %get3A_3, %broadcast_in_dim3A_291 : vector<4x8192xi1>, vector<4x8192xf32>
      %reduce_sum3A = arith.constant dense<0.000000e+00> : vector<4xf32>
      %reduce_sum3A_293 = vector.multi_reduction <add>, %select_n3A_292, %reduce_sum3A [1] : vector<4x8192xf32> to vector<4xf32>
      %broadcast_in_dim3A_294 = vector.shape_cast %reduce_sum3A_293 : vector<4xf32> to vector<4x1xf32>
      %jit3A_295 = arith.constant 0.000000e+00 : f32
      %broadcast_in_dim3A_296 = vector.broadcast %jit3A_295 : f32 to vector<4x8192xf32>
      %select_n3A_297 = arith.select %eq3A_289, %get3A_8, %broadcast_in_dim3A_296 : vector<4x8192xi1>, vector<4x8192xf32>
      %reduce_sum3A_298 = arith.constant dense<0.000000e+00> : vector<4xf32>
      %reduce_sum3A_299 = vector.multi_reduction <add>, %select_n3A_297, %reduce_sum3A_298 [1] : vector<4x8192xf32> to vector<4xf32>
      %broadcast_in_dim3A_300 = vector.shape_cast %reduce_sum3A_299 : vector<4xf32> to vector<4x1xf32>
      %jit3A_301 = arith.constant 0.000000e+00 : f32
      %broadcast_in_dim3A_302 = vector.broadcast %jit3A_301 : f32 to vector<4x8192xf32>
      %select_n3A_303 = arith.select %eq3A_289, %get3A_13, %broadcast_in_dim3A_302 : vector<4x8192xi1>, vector<4x8192xf32>
      %reduce_sum3A_304 = arith.constant dense<0.000000e+00> : vector<4xf32>
      %reduce_sum3A_305 = vector.multi_reduction <add>, %select_n3A_303, %reduce_sum3A_304 [1] : vector<4x8192xf32> to vector<4xf32>
      %broadcast_in_dim3A_306 = vector.shape_cast %reduce_sum3A_305 : vector<4xf32> to vector<4x1xf32>
      %eq3A_307 = vector.broadcast %scan3A_258 : i32 to vector<4x128xi32>
      %eq3A_308 = arith.cmpi eq, %iota3A_14, %eq3A_307 : vector<4x128xi32>
      %broadcast_in_dim3A_309 = vector.shape_cast %broadcast_in_dim3A_287 : vector<4x1xi32> to vector<4x1xi32>
      %broadcast_in_dim3A_310 = vector.broadcast %broadcast_in_dim3A_309 : vector<4x1xi32> to vector<4x128xi32>
      %select_n3A_311 = arith.select %eq3A_308, %broadcast_in_dim3A_310, %scan3A_262 : vector<4x128xi1>, vector<4x128xi32>
      %broadcast_in_dim3A_312 = vector.shape_cast %broadcast_in_dim3A_294 : vector<4x1xf32> to vector<4x1xf32>
      %broadcast_in_dim3A_313 = vector.broadcast %broadcast_in_dim3A_312 : vector<4x1xf32> to vector<4x128xf32>
      %select_n3A_314 = arith.select %eq3A_308, %broadcast_in_dim3A_313, %scan3A_263 : vector<4x128xi1>, vector<4x128xf32>
      %broadcast_in_dim3A_315 = vector.shape_cast %broadcast_in_dim3A_300 : vector<4x1xf32> to vector<4x1xf32>
      %broadcast_in_dim3A_316 = vector.broadcast %broadcast_in_dim3A_315 : vector<4x1xf32> to vector<4x128xf32>
      %select_n3A_317 = arith.select %eq3A_308, %broadcast_in_dim3A_316, %scan3A_264 : vector<4x128xi1>, vector<4x128xf32>
      %broadcast_in_dim3A_318 = vector.shape_cast %broadcast_in_dim3A_306 : vector<4x1xf32> to vector<4x1xf32>
      %broadcast_in_dim3A_319 = vector.broadcast %broadcast_in_dim3A_318 : vector<4x1xf32> to vector<4x128xf32>
      %select_n3A_320 = arith.select %eq3A_308, %broadcast_in_dim3A_319, %scan3A_265 : vector<4x128xi1>, vector<4x128xf32>
      scf.yield %broadcast_in_dim3A_294, %broadcast_in_dim3A_300, %broadcast_in_dim3A_306, %select_n3A_311, %select_n3A_314, %select_n3A_317, %select_n3A_320 : vector<4x1xf32>, vector<4x1xf32>, vector<4x1xf32>, vector<4x128xi32>, vector<4x128xf32>, vector<4x128xf32>, vector<4x128xf32>
    }
    %scan3A_182 = arith.constant 128 : i32
    %swap3A_183 = arith.constant 0 : index
    %swap3A_184 = arith.constant 640 : index
    %swap3A_185 = vector.load %arg1[%swap3A_183, %swap3A_184] : memref<4x1024xi32, #tpu.memory_space<vmem>>, vector<4x128xi32>
    tpu.vector_store %arg1[%swap3A_183, %swap3A_184], %scan3A_181#3 {strides = array<i32>} : memref<4x1024xi32, #tpu.memory_space<vmem>>, vector<4x128xi32>,
    %swap3A_186 = arith.constant 0 : index
    %swap3A_187 = arith.constant 0 : index
    %swap3A_188 = arith.constant 640 : index
    %swap3A_189 = vector.load %arg2[%swap3A_186, %swap3A_187, %swap3A_188] : memref<4x3x1024xf32, #tpu.memory_space<vmem>>, vector<4x1x128xf32>
    %swap3A_190 = vector.shape_cast %swap3A_189 : vector<4x1x128xf32> to vector<4x128xf32>
    %swap3A_191 = vector.shape_cast %scan3A_181#4 : vector<4x128xf32> to vector<4x1x128xf32>
    tpu.vector_store %arg2[%swap3A_186, %swap3A_187, %swap3A_188], %swap3A_191 {strides = array<i32>} : memref<4x3x1024xf32, #tpu.memory_space<vmem>>, vector<4x1x128xf32>,
    %swap3A_192 = arith.constant 0 : index
    %swap3A_193 = arith.constant 1 : index
    %swap3A_194 = arith.constant 640 : index
    %swap3A_195 = vector.load %arg2[%swap3A_192, %swap3A_193, %swap3A_194] : memref<4x3x1024xf32, #tpu.memory_space<vmem>>, vector<4x1x128xf32>
    %swap3A_196 = vector.shape_cast %swap3A_195 : vector<4x1x128xf32> to vector<4x128xf32>
    %swap3A_197 = vector.shape_cast %scan3A_181#5 : vector<4x128xf32> to vector<4x1x128xf32>
    tpu.vector_store %arg2[%swap3A_192, %swap3A_193, %swap3A_194], %swap3A_197 {strides = array<i32>} : memref<4x3x1024xf32, #tpu.memory_space<vmem>>, vector<4x1x128xf32>,
    %swap3A_198 = arith.constant 0 : index
    %swap3A_199 = arith.constant 2 : index
    %swap3A_200 = arith.constant 640 : index
    %swap3A_201 = vector.load %arg2[%swap3A_198, %swap3A_199, %swap3A_200] : memref<4x3x1024xf32, #tpu.memory_space<vmem>>, vector<4x1x128xf32>
    %swap3A_202 = vector.shape_cast %swap3A_201 : vector<4x1x128xf32> to vector<4x128xf32>
    %swap3A_203 = vector.shape_cast %scan3A_181#6 : vector<4x128xf32> to vector<4x1x128xf32>
    tpu.vector_store %arg2[%swap3A_198, %swap3A_199, %swap3A_200], %swap3A_203 {strides = array<i32>} : memref<4x3x1024xf32, #tpu.memory_space<vmem>>, vector<4x1x128xf32>,
    %scan3A_204 = arith.constant 0 : i32
    %scan3A_205 = arith.constant 128 : i32
    %scan3A_206 = arith.addi %scan3A_204, %scan3A_205 : i32
    %scan3A_207 = arith.constant 1 : i32
    %scan3A_208:7 = scf.for %scan3A_258 = %scan3A_204 to %scan3A_206 step %scan3A_207 iter_args(%scan3A_259 = %scan3A_181#0, %scan3A_260 = %scan3A_181#1, %scan3A_261 = %scan3A_181#2, %scan3A_262 = %broadcast_in_dim3A_19, %scan3A_263 = %broadcast_in_dim3A_21, %scan3A_264 = %broadcast_in_dim3A_21, %scan3A_265 = %broadcast_in_dim3A_21) -> (vector<4x1xf32>, vector<4x1xf32>, vector<4x1xf32>, vector<4x128xi32>, vector<4x128xf32>, vector<4x128xf32>, vector<4x128xf32>)  : i32 {
      %sub3A = vector.broadcast %scan3A_259 : vector<4x1xf32> to vector<4x8192xf32>
      %sub3A_266 = arith.subf %get3A_3, %sub3A : vector<4x8192xf32>
      %sub3A_267 = vector.broadcast %scan3A_260 : vector<4x1xf32> to vector<4x8192xf32>
      %sub3A_268 = arith.subf %get3A_8, %sub3A_267 : vector<4x8192xf32>
      %sub3A_269 = vector.broadcast %scan3A_261 : vector<4x1xf32> to vector<4x8192xf32>
      %sub3A_270 = arith.subf %get3A_13, %sub3A_269 : vector<4x8192xf32>
      %mul3A = arith.mulf %sub3A_266, %sub3A_266 : vector<4x8192xf32>
      %mul3A_271 = arith.mulf %sub3A_268, %sub3A_268 : vector<4x8192xf32>
      %add3A = arith.addf %mul3A, %mul3A_271 : vector<4x8192xf32>
      %mul3A_272 = arith.mulf %sub3A_270, %sub3A_270 : vector<4x8192xf32>
      %add3A_273 = arith.addf %add3A, %mul3A_272 : vector<4x8192xf32>
      %get3A_274 = arith.constant 0 : index
      %get3A_275 = arith.constant 0 : index
      %get3A_276 = vector.load %arg3[%get3A_274, %get3A_275] : memref<4x8192xf32, #tpu.memory_space<vmem>>, vector<4x8192xf32>
      %min3A = arith.minimumf %get3A_276, %add3A_273 : vector<4x8192xf32>
      %swap3A_277 = arith.constant 0 : index
      %swap3A_278 = arith.constant 0 : index
      %swap3A_279 = vector.load %arg3[%swap3A_277, %swap3A_278] : memref<4x8192xf32, #tpu.memory_space<vmem>>, vector<4x8192xf32>
      tpu.vector_store %arg3[%swap3A_277, %swap3A_278], %min3A {strides = array<i32>} : memref<4x8192xf32, #tpu.memory_space<vmem>>, vector<4x8192xf32>,
      %reduce_max3A = arith.constant dense<0xFF800000> : vector<4xf32>
      %reduce_max3A_280 = vector.multi_reduction <maximumf>, %min3A, %reduce_max3A [1] : vector<4x8192xf32> to vector<4xf32>
      %broadcast_in_dim3A_281 = vector.shape_cast %reduce_max3A_280 : vector<4xf32> to vector<4x1xf32>
      %eq3A_282 = vector.broadcast %broadcast_in_dim3A_281 : vector<4x1xf32> to vector<4x8192xf32>
      %eq3A_283 = arith.cmpf oeq, %min3A, %eq3A_282 : vector<4x8192xf32>
      %jit3A = arith.constant 8192 : i32
      %broadcast_in_dim3A_284 = vector.broadcast %jit3A : i32 to vector<4x8192xi32>
      %select_n3A_285 = arith.select %eq3A_283, %iota3A, %broadcast_in_dim3A_284 : vector<4x8192xi1>, vector<4x8192xi32>
      %reduce_min3A = arith.constant dense<2147483647> : vector<4xi32>
      %reduce_min3A_286 = vector.multi_reduction <minsi>, %select_n3A_285, %reduce_min3A [1] : vector<4x8192xi32> to vector<4xi32>
      %broadcast_in_dim3A_287 = vector.shape_cast %reduce_min3A_286 : vector<4xi32> to vector<4x1xi32>
      %eq3A_288 = vector.broadcast %broadcast_in_dim3A_287 : vector<4x1xi32> to vector<4x8192xi32>
      %eq3A_289 = arith.cmpi eq, %iota3A, %eq3A_288 : vector<4x8192xi32>
      %jit3A_290 = arith.constant 0.000000e+00 : f32
      %broadcast_in_dim3A_291 = vector.broadcast %jit3A_290 : f32 to vector<4x8192xf32>
      %select_n3A_292 = arith.select %eq3A_289, %get3A_3, %broadcast_in_dim3A_291 : vector<4x8192xi1>, vector<4x8192xf32>
      %reduce_sum3A = arith.constant dense<0.000000e+00> : vector<4xf32>
      %reduce_sum3A_293 = vector.multi_reduction <add>, %select_n3A_292, %reduce_sum3A [1] : vector<4x8192xf32> to vector<4xf32>
      %broadcast_in_dim3A_294 = vector.shape_cast %reduce_sum3A_293 : vector<4xf32> to vector<4x1xf32>
      %jit3A_295 = arith.constant 0.000000e+00 : f32
      %broadcast_in_dim3A_296 = vector.broadcast %jit3A_295 : f32 to vector<4x8192xf32>
      %select_n3A_297 = arith.select %eq3A_289, %get3A_8, %broadcast_in_dim3A_296 : vector<4x8192xi1>, vector<4x8192xf32>
      %reduce_sum3A_298 = arith.constant dense<0.000000e+00> : vector<4xf32>
      %reduce_sum3A_299 = vector.multi_reduction <add>, %select_n3A_297, %reduce_sum3A_298 [1] : vector<4x8192xf32> to vector<4xf32>
      %broadcast_in_dim3A_300 = vector.shape_cast %reduce_sum3A_299 : vector<4xf32> to vector<4x1xf32>
      %jit3A_301 = arith.constant 0.000000e+00 : f32
      %broadcast_in_dim3A_302 = vector.broadcast %jit3A_301 : f32 to vector<4x8192xf32>
      %select_n3A_303 = arith.select %eq3A_289, %get3A_13, %broadcast_in_dim3A_302 : vector<4x8192xi1>, vector<4x8192xf32>
      %reduce_sum3A_304 = arith.constant dense<0.000000e+00> : vector<4xf32>
      %reduce_sum3A_305 = vector.multi_reduction <add>, %select_n3A_303, %reduce_sum3A_304 [1] : vector<4x8192xf32> to vector<4xf32>
      %broadcast_in_dim3A_306 = vector.shape_cast %reduce_sum3A_305 : vector<4xf32> to vector<4x1xf32>
      %eq3A_307 = vector.broadcast %scan3A_258 : i32 to vector<4x128xi32>
      %eq3A_308 = arith.cmpi eq, %iota3A_14, %eq3A_307 : vector<4x128xi32>
      %broadcast_in_dim3A_309 = vector.shape_cast %broadcast_in_dim3A_287 : vector<4x1xi32> to vector<4x1xi32>
      %broadcast_in_dim3A_310 = vector.broadcast %broadcast_in_dim3A_309 : vector<4x1xi32> to vector<4x128xi32>
      %select_n3A_311 = arith.select %eq3A_308, %broadcast_in_dim3A_310, %scan3A_262 : vector<4x128xi1>, vector<4x128xi32>
      %broadcast_in_dim3A_312 = vector.shape_cast %broadcast_in_dim3A_294 : vector<4x1xf32> to vector<4x1xf32>
      %broadcast_in_dim3A_313 = vector.broadcast %broadcast_in_dim3A_312 : vector<4x1xf32> to vector<4x128xf32>
      %select_n3A_314 = arith.select %eq3A_308, %broadcast_in_dim3A_313, %scan3A_263 : vector<4x128xi1>, vector<4x128xf32>
      %broadcast_in_dim3A_315 = vector.shape_cast %broadcast_in_dim3A_300 : vector<4x1xf32> to vector<4x1xf32>
      %broadcast_in_dim3A_316 = vector.broadcast %broadcast_in_dim3A_315 : vector<4x1xf32> to vector<4x128xf32>
      %select_n3A_317 = arith.select %eq3A_308, %broadcast_in_dim3A_316, %scan3A_264 : vector<4x128xi1>, vector<4x128xf32>
      %broadcast_in_dim3A_318 = vector.shape_cast %broadcast_in_dim3A_306 : vector<4x1xf32> to vector<4x1xf32>
      %broadcast_in_dim3A_319 = vector.broadcast %broadcast_in_dim3A_318 : vector<4x1xf32> to vector<4x128xf32>
      %select_n3A_320 = arith.select %eq3A_308, %broadcast_in_dim3A_319, %scan3A_265 : vector<4x128xi1>, vector<4x128xf32>
      scf.yield %broadcast_in_dim3A_294, %broadcast_in_dim3A_300, %broadcast_in_dim3A_306, %select_n3A_311, %select_n3A_314, %select_n3A_317, %select_n3A_320 : vector<4x1xf32>, vector<4x1xf32>, vector<4x1xf32>, vector<4x128xi32>, vector<4x128xf32>, vector<4x128xf32>, vector<4x128xf32>
    }
    %scan3A_209 = arith.constant 128 : i32
    %swap3A_210 = arith.constant 0 : index
    %swap3A_211 = arith.constant 768 : index
    %swap3A_212 = vector.load %arg1[%swap3A_210, %swap3A_211] : memref<4x1024xi32, #tpu.memory_space<vmem>>, vector<4x128xi32>
    tpu.vector_store %arg1[%swap3A_210, %swap3A_211], %scan3A_208#3 {strides = array<i32>} : memref<4x1024xi32, #tpu.memory_space<vmem>>, vector<4x128xi32>,
    %swap3A_213 = arith.constant 0 : index
    %swap3A_214 = arith.constant 0 : index
    %swap3A_215 = arith.constant 768 : index
    %swap3A_216 = vector.load %arg2[%swap3A_213, %swap3A_214, %swap3A_215] : memref<4x3x1024xf32, #tpu.memory_space<vmem>>, vector<4x1x128xf32>
    %swap3A_217 = vector.shape_cast %swap3A_216 : vector<4x1x128xf32> to vector<4x128xf32>
    %swap3A_218 = vector.shape_cast %scan3A_208#4 : vector<4x128xf32> to vector<4x1x128xf32>
    tpu.vector_store %arg2[%swap3A_213, %swap3A_214, %swap3A_215], %swap3A_218 {strides = array<i32>} : memref<4x3x1024xf32, #tpu.memory_space<vmem>>, vector<4x1x128xf32>,
    %swap3A_219 = arith.constant 0 : index
    %swap3A_220 = arith.constant 1 : index
    %swap3A_221 = arith.constant 768 : index
    %swap3A_222 = vector.load %arg2[%swap3A_219, %swap3A_220, %swap3A_221] : memref<4x3x1024xf32, #tpu.memory_space<vmem>>, vector<4x1x128xf32>
    %swap3A_223 = vector.shape_cast %swap3A_222 : vector<4x1x128xf32> to vector<4x128xf32>
    %swap3A_224 = vector.shape_cast %scan3A_208#5 : vector<4x128xf32> to vector<4x1x128xf32>
    tpu.vector_store %arg2[%swap3A_219, %swap3A_220, %swap3A_221], %swap3A_224 {strides = array<i32>} : memref<4x3x1024xf32, #tpu.memory_space<vmem>>, vector<4x1x128xf32>,
    %swap3A_225 = arith.constant 0 : index
    %swap3A_226 = arith.constant 2 : index
    %swap3A_227 = arith.constant 768 : index
    %swap3A_228 = vector.load %arg2[%swap3A_225, %swap3A_226, %swap3A_227] : memref<4x3x1024xf32, #tpu.memory_space<vmem>>, vector<4x1x128xf32>
    %swap3A_229 = vector.shape_cast %swap3A_228 : vector<4x1x128xf32> to vector<4x128xf32>
    %swap3A_230 = vector.shape_cast %scan3A_208#6 : vector<4x128xf32> to vector<4x1x128xf32>
    tpu.vector_store %arg2[%swap3A_225, %swap3A_226, %swap3A_227], %swap3A_230 {strides = array<i32>} : memref<4x3x1024xf32, #tpu.memory_space<vmem>>, vector<4x1x128xf32>,
    %scan3A_231 = arith.constant 0 : i32
    %scan3A_232 = arith.constant 128 : i32
    %scan3A_233 = arith.addi %scan3A_231, %scan3A_232 : i32
    %scan3A_234 = arith.constant 1 : i32
    %scan3A_235:7 = scf.for %scan3A_258 = %scan3A_231 to %scan3A_233 step %scan3A_234 iter_args(%scan3A_259 = %scan3A_208#0, %scan3A_260 = %scan3A_208#1, %scan3A_261 = %scan3A_208#2, %scan3A_262 = %broadcast_in_dim3A_19, %scan3A_263 = %broadcast_in_dim3A_21, %scan3A_264 = %broadcast_in_dim3A_21, %scan3A_265 = %broadcast_in_dim3A_21) -> (vector<4x1xf32>, vector<4x1xf32>, vector<4x1xf32>, vector<4x128xi32>, vector<4x128xf32>, vector<4x128xf32>, vector<4x128xf32>)  : i32 {
      %sub3A = vector.broadcast %scan3A_259 : vector<4x1xf32> to vector<4x8192xf32>
      %sub3A_266 = arith.subf %get3A_3, %sub3A : vector<4x8192xf32>
      %sub3A_267 = vector.broadcast %scan3A_260 : vector<4x1xf32> to vector<4x8192xf32>
      %sub3A_268 = arith.subf %get3A_8, %sub3A_267 : vector<4x8192xf32>
      %sub3A_269 = vector.broadcast %scan3A_261 : vector<4x1xf32> to vector<4x8192xf32>
      %sub3A_270 = arith.subf %get3A_13, %sub3A_269 : vector<4x8192xf32>
      %mul3A = arith.mulf %sub3A_266, %sub3A_266 : vector<4x8192xf32>
      %mul3A_271 = arith.mulf %sub3A_268, %sub3A_268 : vector<4x8192xf32>
      %add3A = arith.addf %mul3A, %mul3A_271 : vector<4x8192xf32>
      %mul3A_272 = arith.mulf %sub3A_270, %sub3A_270 : vector<4x8192xf32>
      %add3A_273 = arith.addf %add3A, %mul3A_272 : vector<4x8192xf32>
      %get3A_274 = arith.constant 0 : index
      %get3A_275 = arith.constant 0 : index
      %get3A_276 = vector.load %arg3[%get3A_274, %get3A_275] : memref<4x8192xf32, #tpu.memory_space<vmem>>, vector<4x8192xf32>
      %min3A = arith.minimumf %get3A_276, %add3A_273 : vector<4x8192xf32>
      %swap3A_277 = arith.constant 0 : index
      %swap3A_278 = arith.constant 0 : index
      %swap3A_279 = vector.load %arg3[%swap3A_277, %swap3A_278] : memref<4x8192xf32, #tpu.memory_space<vmem>>, vector<4x8192xf32>
      tpu.vector_store %arg3[%swap3A_277, %swap3A_278], %min3A {strides = array<i32>} : memref<4x8192xf32, #tpu.memory_space<vmem>>, vector<4x8192xf32>,
      %reduce_max3A = arith.constant dense<0xFF800000> : vector<4xf32>
      %reduce_max3A_280 = vector.multi_reduction <maximumf>, %min3A, %reduce_max3A [1] : vector<4x8192xf32> to vector<4xf32>
      %broadcast_in_dim3A_281 = vector.shape_cast %reduce_max3A_280 : vector<4xf32> to vector<4x1xf32>
      %eq3A_282 = vector.broadcast %broadcast_in_dim3A_281 : vector<4x1xf32> to vector<4x8192xf32>
      %eq3A_283 = arith.cmpf oeq, %min3A, %eq3A_282 : vector<4x8192xf32>
      %jit3A = arith.constant 8192 : i32
      %broadcast_in_dim3A_284 = vector.broadcast %jit3A : i32 to vector<4x8192xi32>
      %select_n3A_285 = arith.select %eq3A_283, %iota3A, %broadcast_in_dim3A_284 : vector<4x8192xi1>, vector<4x8192xi32>
      %reduce_min3A = arith.constant dense<2147483647> : vector<4xi32>
      %reduce_min3A_286 = vector.multi_reduction <minsi>, %select_n3A_285, %reduce_min3A [1] : vector<4x8192xi32> to vector<4xi32>
      %broadcast_in_dim3A_287 = vector.shape_cast %reduce_min3A_286 : vector<4xi32> to vector<4x1xi32>
      %eq3A_288 = vector.broadcast %broadcast_in_dim3A_287 : vector<4x1xi32> to vector<4x8192xi32>
      %eq3A_289 = arith.cmpi eq, %iota3A, %eq3A_288 : vector<4x8192xi32>
      %jit3A_290 = arith.constant 0.000000e+00 : f32
      %broadcast_in_dim3A_291 = vector.broadcast %jit3A_290 : f32 to vector<4x8192xf32>
      %select_n3A_292 = arith.select %eq3A_289, %get3A_3, %broadcast_in_dim3A_291 : vector<4x8192xi1>, vector<4x8192xf32>
      %reduce_sum3A = arith.constant dense<0.000000e+00> : vector<4xf32>
      %reduce_sum3A_293 = vector.multi_reduction <add>, %select_n3A_292, %reduce_sum3A [1] : vector<4x8192xf32> to vector<4xf32>
      %broadcast_in_dim3A_294 = vector.shape_cast %reduce_sum3A_293 : vector<4xf32> to vector<4x1xf32>
      %jit3A_295 = arith.constant 0.000000e+00 : f32
      %broadcast_in_dim3A_296 = vector.broadcast %jit3A_295 : f32 to vector<4x8192xf32>
      %select_n3A_297 = arith.select %eq3A_289, %get3A_8, %broadcast_in_dim3A_296 : vector<4x8192xi1>, vector<4x8192xf32>
      %reduce_sum3A_298 = arith.constant dense<0.000000e+00> : vector<4xf32>
      %reduce_sum3A_299 = vector.multi_reduction <add>, %select_n3A_297, %reduce_sum3A_298 [1] : vector<4x8192xf32> to vector<4xf32>
      %broadcast_in_dim3A_300 = vector.shape_cast %reduce_sum3A_299 : vector<4xf32> to vector<4x1xf32>
      %jit3A_301 = arith.constant 0.000000e+00 : f32
      %broadcast_in_dim3A_302 = vector.broadcast %jit3A_301 : f32 to vector<4x8192xf32>
      %select_n3A_303 = arith.select %eq3A_289, %get3A_13, %broadcast_in_dim3A_302 : vector<4x8192xi1>, vector<4x8192xf32>
      %reduce_sum3A_304 = arith.constant dense<0.000000e+00> : vector<4xf32>
      %reduce_sum3A_305 = vector.multi_reduction <add>, %select_n3A_303, %reduce_sum3A_304 [1] : vector<4x8192xf32> to vector<4xf32>
      %broadcast_in_dim3A_306 = vector.shape_cast %reduce_sum3A_305 : vector<4xf32> to vector<4x1xf32>
      %eq3A_307 = vector.broadcast %scan3A_258 : i32 to vector<4x128xi32>
      %eq3A_308 = arith.cmpi eq, %iota3A_14, %eq3A_307 : vector<4x128xi32>
      %broadcast_in_dim3A_309 = vector.shape_cast %broadcast_in_dim3A_287 : vector<4x1xi32> to vector<4x1xi32>
      %broadcast_in_dim3A_310 = vector.broadcast %broadcast_in_dim3A_309 : vector<4x1xi32> to vector<4x128xi32>
      %select_n3A_311 = arith.select %eq3A_308, %broadcast_in_dim3A_310, %scan3A_262 : vector<4x128xi1>, vector<4x128xi32>
      %broadcast_in_dim3A_312 = vector.shape_cast %broadcast_in_dim3A_294 : vector<4x1xf32> to vector<4x1xf32>
      %broadcast_in_dim3A_313 = vector.broadcast %broadcast_in_dim3A_312 : vector<4x1xf32> to vector<4x128xf32>
      %select_n3A_314 = arith.select %eq3A_308, %broadcast_in_dim3A_313, %scan3A_263 : vector<4x128xi1>, vector<4x128xf32>
      %broadcast_in_dim3A_315 = vector.shape_cast %broadcast_in_dim3A_300 : vector<4x1xf32> to vector<4x1xf32>
      %broadcast_in_dim3A_316 = vector.broadcast %broadcast_in_dim3A_315 : vector<4x1xf32> to vector<4x128xf32>
      %select_n3A_317 = arith.select %eq3A_308, %broadcast_in_dim3A_316, %scan3A_264 : vector<4x128xi1>, vector<4x128xf32>
      %broadcast_in_dim3A_318 = vector.shape_cast %broadcast_in_dim3A_306 : vector<4x1xf32> to vector<4x1xf32>
      %broadcast_in_dim3A_319 = vector.broadcast %broadcast_in_dim3A_318 : vector<4x1xf32> to vector<4x128xf32>
      %select_n3A_320 = arith.select %eq3A_308, %broadcast_in_dim3A_319, %scan3A_265 : vector<4x128xi1>, vector<4x128xf32>
      scf.yield %broadcast_in_dim3A_294, %broadcast_in_dim3A_300, %broadcast_in_dim3A_306, %select_n3A_311, %select_n3A_314, %select_n3A_317, %select_n3A_320 : vector<4x1xf32>, vector<4x1xf32>, vector<4x1xf32>, vector<4x128xi32>, vector<4x128xf32>, vector<4x128xf32>, vector<4x128xf32>
    }
    %scan3A_236 = arith.constant 128 : i32
    %swap3A_237 = arith.constant 0 : index
    %swap3A_238 = arith.constant 896 : index
    %swap3A_239 = vector.load %arg1[%swap3A_237, %swap3A_238] : memref<4x1024xi32, #tpu.memory_space<vmem>>, vector<4x128xi32>
    tpu.vector_store %arg1[%swap3A_237, %swap3A_238], %scan3A_235#3 {strides = array<i32>} : memref<4x1024xi32, #tpu.memory_space<vmem>>, vector<4x128xi32>,
    %swap3A_240 = arith.constant 0 : index
    %swap3A_241 = arith.constant 0 : index
    %swap3A_242 = arith.constant 896 : index
    %swap3A_243 = vector.load %arg2[%swap3A_240, %swap3A_241, %swap3A_242] : memref<4x3x1024xf32, #tpu.memory_space<vmem>>, vector<4x1x128xf32>
    %swap3A_244 = vector.shape_cast %swap3A_243 : vector<4x1x128xf32> to vector<4x128xf32>
    %swap3A_245 = vector.shape_cast %scan3A_235#4 : vector<4x128xf32> to vector<4x1x128xf32>
    tpu.vector_store %arg2[%swap3A_240, %swap3A_241, %swap3A_242], %swap3A_245 {strides = array<i32>} : memref<4x3x1024xf32, #tpu.memory_space<vmem>>, vector<4x1x128xf32>,
    %swap3A_246 = arith.constant 0 : index
    %swap3A_247 = arith.constant 1 : index
    %swap3A_248 = arith.constant 896 : index
    %swap3A_249 = vector.load %arg2[%swap3A_246, %swap3A_247, %swap3A_248] : memref<4x3x1024xf32, #tpu.memory_space<vmem>>, vector<4x1x128xf32>
    %swap3A_250 = vector.shape_cast %swap3A_249 : vector<4x1x128xf32> to vector<4x128xf32>
    %swap3A_251 = vector.shape_cast %scan3A_235#5 : vector<4x128xf32> to vector<4x1x128xf32>
    tpu.vector_store %arg2[%swap3A_246, %swap3A_247, %swap3A_248], %swap3A_251 {strides = array<i32>} : memref<4x3x1024xf32, #tpu.memory_space<vmem>>, vector<4x1x128xf32>,
    %swap3A_252 = arith.constant 0 : index
    %swap3A_253 = arith.constant 2 : index
    %swap3A_254 = arith.constant 896 : index
    %swap3A_255 = vector.load %arg2[%swap3A_252, %swap3A_253, %swap3A_254] : memref<4x3x1024xf32, #tpu.memory_space<vmem>>, vector<4x1x128xf32>
    %swap3A_256 = vector.shape_cast %swap3A_255 : vector<4x1x128xf32> to vector<4x128xf32>
    %swap3A_257 = vector.shape_cast %scan3A_235#6 : vector<4x128xf32> to vector<4x1x128xf32>
    tpu.vector_store %arg2[%swap3A_252, %swap3A_253, %swap3A_254], %swap3A_257 {strides = array<i32>} : memref<4x3x1024xf32, #tpu.memory_space<vmem>>, vector<4x1x128xf32>,
    return
  }
}

module attributes {stable_mosaic.version = 14 : i64} {
  func.func @_g_body(%arg0: i32, %arg1: i32, %arg2: memref<1x512x3xf32, #tpu.memory_space<vmem>>, %arg3: memref<1x512x64xf32, #tpu.memory_space<vmem>>, %arg4: memref<3x128xf32, #tpu.memory_space<vmem>>, %arg5: memref<64x128xf32, #tpu.memory_space<vmem>>, %arg6: memref<512x128xf32, #tpu.memory_space<vmem>>) attributes {dimension_semantics = [#tpu.dimension_semantics<arbitrary>, #tpu.dimension_semantics<arbitrary>], iteration_bounds = array<i64: 4, 16>, scalar_prefetch = 0 : i64, scratch_operands = 0 : i64, tpu.core_type = #tpu.core_type<tc>, window_params = [{transform_indices = @transform_0, window_bounds = array<i64: 1, 512, 3>}, {transform_indices = @transform_1, window_bounds = array<i64: 1, 512, 64>}, {pipeline_mode = #tpu.pipeline_mode<synchronous>, transform_indices = @transform_2, window_bounds = array<i64: 3, 128>}, {pipeline_mode = #tpu.pipeline_mode<synchronous>, transform_indices = @transform_3, window_bounds = array<i64: 64, 128>}, {transform_indices = @transform_4, window_bounds = array<i64: 512, 128>}]} {
    %get3A = arith.constant 0 : index
    %get3A_0 = arith.constant 0 : index
    %get3A_1 = arith.constant 0 : index
    %get3A_2 = vector.load %arg2[%get3A, %get3A_0, %get3A_1] : memref<1x512x3xf32, #tpu.memory_space<vmem>>, vector<1x512x3xf32>
    %reshape3A = vector.shape_cast %get3A_2 : vector<1x512x3xf32> to vector<512x3xf32>
    %get3A_3 = arith.constant 0 : index
    %get3A_4 = arith.constant 0 : index
    %get3A_5 = arith.constant 0 : index
    %get3A_6 = vector.load %arg3[%get3A_3, %get3A_4, %get3A_5] : memref<1x512x64xf32, #tpu.memory_space<vmem>>, vector<1x512x64xf32>
    %reshape3A_7 = vector.shape_cast %get3A_6 : vector<1x512x64xf32> to vector<512x64xf32>
    %get3A_8 = arith.constant 0 : index
    %get3A_9 = arith.constant 0 : index
    %get3A_10 = vector.load %arg4[%get3A_8, %get3A_9] : memref<3x128xf32, #tpu.memory_space<vmem>>, vector<3x128xf32>
    %dot_general3A = arith.constant dense<0.000000e+00> : vector<512x128xf32>
    %dot_general3A_11 = tpu.matmul %reshape3A, %get3A_10, %dot_general3A {dimension_numbers = #tpu.dot_dimension_numbers<[1], [0], [0], [1], [0, 0, 1, 1], [], []>, transpose_lhs_hint = false} : vector<512x3xf32>, vector<3x128xf32>, vector<512x128xf32> -> vector<512x128xf32>
    %get3A_12 = arith.constant 0 : index
    %get3A_13 = arith.constant 0 : index
    %get3A_14 = vector.load %arg5[%get3A_12, %get3A_13] : memref<64x128xf32, #tpu.memory_space<vmem>>, vector<64x128xf32>
    %dot_general3A_15 = arith.constant dense<0.000000e+00> : vector<512x128xf32>
    %dot_general3A_16 = tpu.matmul %reshape3A_7, %get3A_14, %dot_general3A_15 {dimension_numbers = #tpu.dot_dimension_numbers<[1], [0], [0], [1], [0, 0, 1, 1], [], []>, transpose_lhs_hint = false} : vector<512x64xf32>, vector<64x128xf32>, vector<512x128xf32> -> vector<512x128xf32>
    %add3A = arith.addf %dot_general3A_11, %dot_general3A_16 : vector<512x128xf32>
    %swap3A = arith.constant 0 : index
    %swap3A_17 = arith.constant 0 : index
    %swap3A_18 = vector.load %arg6[%swap3A, %swap3A_17] : memref<512x128xf32, #tpu.memory_space<vmem>>, vector<512x128xf32>
    tpu.vector_store %arg6[%swap3A, %swap3A_17], %add3A {strides = array<i32>} : memref<512x128xf32, #tpu.memory_space<vmem>>, vector<512x128xf32>,
    return
  }
  func.func @transform_0(%arg0: i32, %arg1: i32) -> (i32, i32, i32) {
    %c0_i32 = arith.constant 0 : i32
    %c0_i32_0 = arith.constant 0 : i32
    return %arg0, %arg1, %c0_i32 : i32, i32, i32
  }
  func.func @transform_1(%arg0: i32, %arg1: i32) -> (i32, i32, i32) {
    %c0_i32 = arith.constant 0 : i32
    %c0_i32_0 = arith.constant 0 : i32
    return %arg0, %arg1, %c0_i32 : i32, i32, i32
  }
  func.func @transform_2(%arg0: i32, %arg1: i32) -> (i32, i32) {
    %c0_i32 = arith.constant 0 : i32
    %c0_i32_0 = arith.constant 0 : i32
    %c0_i32_1 = arith.constant 0 : i32
    return %c0_i32, %c0_i32_0 : i32, i32
  }
  func.func @transform_3(%arg0: i32, %arg1: i32) -> (i32, i32) {
    %c0_i32 = arith.constant 0 : i32
    %c0_i32_0 = arith.constant 0 : i32
    %c0_i32_1 = arith.constant 0 : i32
    return %c0_i32, %c0_i32_0 : i32, i32
  }
  func.func @transform_4(%arg0: i32, %arg1: i32) -> (i32, i32) {
    %mul3A = arith.constant 16 : i32
    %mul3A_0 = arith.muli %arg0, %mul3A : i32
    %add3A = arith.addi %mul3A_0, %arg1 : i32
    %c0_i32 = arith.constant 0 : i32
    %c0_i32_1 = arith.constant 0 : i32
    return %add3A, %c0_i32 : i32, i32
  }
}

module attributes {stable_mosaic.version = 14 : i64} {
  func.func @_c_body(%arg0: i32, %arg1: memref<512x3xf32, #tpu.memory_space<vmem>>, %arg2: memref<3x128xf32, #tpu.memory_space<vmem>>, %arg3: memref<512x128xf32, #tpu.memory_space<vmem>>) attributes {dimension_semantics = [#tpu.dimension_semantics<arbitrary>], iteration_bounds = array<i64: 8>, scalar_prefetch = 0 : i64, scratch_operands = 0 : i64, tpu.core_type = #tpu.core_type<tc>, window_params = [{transform_indices = @transform_0, window_bounds = array<i64: 512, 3>}, {pipeline_mode = #tpu.pipeline_mode<synchronous>, transform_indices = @transform_1, window_bounds = array<i64: 3, 128>}, {transform_indices = @transform_2, window_bounds = array<i64: 512, 128>}]} {
    %get3A = arith.constant 0 : index
    %get3A_0 = arith.constant 0 : index
    %get3A_1 = vector.load %arg1[%get3A, %get3A_0] : memref<512x3xf32, #tpu.memory_space<vmem>>, vector<512x3xf32>
    %get3A_2 = arith.constant 0 : index
    %get3A_3 = arith.constant 0 : index
    %get3A_4 = vector.load %arg2[%get3A_2, %get3A_3] : memref<3x128xf32, #tpu.memory_space<vmem>>, vector<3x128xf32>
    %dot_general3A = arith.constant dense<0.000000e+00> : vector<512x128xf32>
    %dot_general3A_5 = tpu.matmul %get3A_1, %get3A_4, %dot_general3A {dimension_numbers = #tpu.dot_dimension_numbers<[1], [0], [0], [1], [0, 0, 1, 1], [], []>, transpose_lhs_hint = false} : vector<512x3xf32>, vector<3x128xf32>, vector<512x128xf32> -> vector<512x128xf32>
    %swap3A = arith.constant 0 : index
    %swap3A_6 = arith.constant 0 : index
    %swap3A_7 = vector.load %arg3[%swap3A, %swap3A_6] : memref<512x128xf32, #tpu.memory_space<vmem>>, vector<512x128xf32>
    tpu.vector_store %arg3[%swap3A, %swap3A_6], %dot_general3A_5 {strides = array<i32>} : memref<512x128xf32, #tpu.memory_space<vmem>>, vector<512x128xf32>,
    return
  }
  func.func @transform_0(%arg0: i32) -> (i32, i32) {
    %c0_i32 = arith.constant 0 : i32
    %c0_i32_0 = arith.constant 0 : i32
    return %arg0, %c0_i32 : i32, i32
  }
  func.func @transform_1(%arg0: i32) -> (i32, i32) {
    %c0_i32 = arith.constant 0 : i32
    %c0_i32_0 = arith.constant 0 : i32
    %c0_i32_1 = arith.constant 0 : i32
    return %c0_i32, %c0_i32_0 : i32, i32
  }
  func.func @transform_2(%arg0: i32) -> (i32, i32) {
    %c0_i32 = arith.constant 0 : i32
    %c0_i32_0 = arith.constant 0 : i32
    return %arg0, %c0_i32 : i32, i32
  }
}

module attributes {stable_mosaic.version = 14 : i64} {
  func.func @_p1_body(%arg0: i32, %arg1: memref<512x128xf32, #tpu.memory_space<vmem>>, %arg2: memref<16x128xf32, #tpu.memory_space<vmem>>, %arg3: memref<16x128xf32, #tpu.memory_space<vmem>>, %arg4: memref<16x128xf32, #tpu.memory_space<vmem>>) attributes {dimension_semantics = [#tpu.dimension_semantics<arbitrary>], iteration_bounds = array<i64: 256>, scalar_prefetch = 0 : i64, scratch_operands = 1 : i64, tpu.core_type = #tpu.core_type<tc>, window_params = [{transform_indices = @transform_0, window_bounds = array<i64: 512, 128>}, {transform_indices = @transform_1, window_bounds = array<i64: 16, 128>}, {pipeline_mode = #tpu.pipeline_mode<synchronous>, transform_indices = @transform_2, window_bounds = array<i64: 16, 128>}]} {
    %eq3A = arith.constant 0 : i32
    %eq3A_0 = arith.cmpi eq, %arg0, %eq3A : i32
    %convert_element_type3A = arith.extui %eq3A_0 : i1 to i32
    %cond3A = arith.constant 0 : i32
    %cond3A_1 = arith.cmpi ne, %convert_element_type3A, %cond3A : i32
    scf.if %cond3A_1 {
      %broadcast_in_dim3A = arith.constant 0.000000e+00 : f32
      %broadcast_in_dim3A_32 = vector.broadcast %broadcast_in_dim3A : f32 to vector<16x128xf32>
      %swap3A_33 = arith.constant 0 : index
      %swap3A_34 = arith.constant 0 : index
      %swap3A_35 = vector.load %arg4[%swap3A_33, %swap3A_34] : memref<16x128xf32, #tpu.memory_space<vmem>>, vector<16x128xf32>
      tpu.vector_store %arg4[%swap3A_33, %swap3A_34], %broadcast_in_dim3A_32 {strides = array<i32>} : memref<16x128xf32, #tpu.memory_space<vmem>>, vector<16x128xf32>,
    } else {
    }
    %get3A = arith.constant 0 : index
    %get3A_2 = arith.constant 0 : index
    %get3A_3 = vector.load %arg1[%get3A, %get3A_2] : memref<512x128xf32, #tpu.memory_space<vmem>>, vector<512x128xf32>
    %reshape3A = vector.shape_cast %get3A_3 : vector<512x128xf32> to vector<16x32x128xf32>
    %get3A_4 = arith.constant 0 : index
    %get3A_5 = arith.constant 0 : index
    %get3A_6 = vector.load %arg2[%get3A_4, %get3A_5] : memref<16x128xf32, #tpu.memory_space<vmem>>, vector<16x128xf32>
    %reshape3A_7 = vector.shape_cast %get3A_6 : vector<16x128xf32> to vector<16x1x128xf32>
    %sub3A = vector.broadcast %reshape3A_7 : vector<16x1x128xf32> to vector<16x32x128xf32>
    %sub3A_8 = arith.subf %reshape3A, %sub3A : vector<16x32x128xf32>
    %reshape3A_9 = vector.shape_cast %sub3A_8 : vector<16x32x128xf32> to vector<512x128xf32>
    %reshape3A_10 = vector.shape_cast %reshape3A_9 : vector<512x128xf32> to vector<64x8x128xf32>
    %reduce_sum3A = arith.constant dense<0.000000e+00> : vector<8x128xf32>
    %reduce_sum3A_11 = vector.multi_reduction <add>, %reshape3A_10, %reduce_sum3A [0] : vector<64x8x128xf32> to vector<8x128xf32>
    %mul3A = arith.mulf %reshape3A_9, %reshape3A_9 : vector<512x128xf32>
    %reshape3A_12 = vector.shape_cast %mul3A : vector<512x128xf32> to vector<64x8x128xf32>
    %reduce_sum3A_13 = arith.constant dense<0.000000e+00> : vector<8x128xf32>
    %reduce_sum3A_14 = vector.multi_reduction <add>, %reshape3A_12, %reduce_sum3A_13 [0] : vector<64x8x128xf32> to vector<8x128xf32>
    %get3A_15 = arith.constant 0 : index
    %get3A_16 = arith.constant 0 : index
    %get3A_17 = vector.load %arg4[%get3A_15, %get3A_16] : memref<16x128xf32, #tpu.memory_space<vmem>>, vector<8x128xf32>
    %add3A = arith.addf %get3A_17, %reduce_sum3A_11 : vector<8x128xf32>
    %swap3A = arith.constant 0 : index
    %swap3A_18 = arith.constant 0 : index
    %swap3A_19 = vector.load %arg4[%swap3A, %swap3A_18] : memref<16x128xf32, #tpu.memory_space<vmem>>, vector<8x128xf32>
    tpu.vector_store %arg4[%swap3A, %swap3A_18], %add3A {strides = array<i32>} : memref<16x128xf32, #tpu.memory_space<vmem>>, vector<8x128xf32>,
    %get3A_20 = arith.constant 8 : index
    %get3A_21 = arith.constant 0 : index
    %get3A_22 = vector.load %arg4[%get3A_20, %get3A_21] : memref<16x128xf32, #tpu.memory_space<vmem>>, vector<8x128xf32>
    %add3A_23 = arith.addf %get3A_22, %reduce_sum3A_14 : vector<8x128xf32>
    %swap3A_24 = arith.constant 8 : index
    %swap3A_25 = arith.constant 0 : index
    %swap3A_26 = vector.load %arg4[%swap3A_24, %swap3A_25] : memref<16x128xf32, #tpu.memory_space<vmem>>, vector<8x128xf32>
    tpu.vector_store %arg4[%swap3A_24, %swap3A_25], %add3A_23 {strides = array<i32>} : memref<16x128xf32, #tpu.memory_space<vmem>>, vector<8x128xf32>,
    %eq3A_27 = arith.constant 255 : i32
    %eq3A_28 = arith.cmpi eq, %arg0, %eq3A_27 : i32
    %convert_element_type3A_29 = arith.extui %eq3A_28 : i1 to i32
    %cond3A_30 = arith.constant 0 : i32
    %cond3A_31 = arith.cmpi ne, %convert_element_type3A_29, %cond3A_30 : i32
    scf.if %cond3A_31 {
      %get3A_32 = arith.constant 0 : index
      %get3A_33 = arith.constant 0 : index
      %get3A_34 = vector.load %arg4[%get3A_32, %get3A_33] : memref<16x128xf32, #tpu.memory_space<vmem>>, vector<16x128xf32>
      %swap3A_35 = arith.constant 0 : index
      %swap3A_36 = arith.constant 0 : index
      %swap3A_37 = vector.load %arg3[%swap3A_35, %swap3A_36] : memref<16x128xf32, #tpu.memory_space<vmem>>, vector<16x128xf32>
      tpu.vector_store %arg3[%swap3A_35, %swap3A_36], %get3A_34 {strides = array<i32>} : memref<16x128xf32, #tpu.memory_space<vmem>>, vector<16x128xf32>,
    } else {
    }
    return
  }
  func.func @transform_0(%arg0: i32) -> (i32, i32) {
    %c0_i32 = arith.constant 0 : i32
    %c0_i32_0 = arith.constant 0 : i32
    return %arg0, %c0_i32 : i32, i32
  }
  func.func @transform_1(%arg0: i32) -> (i32, i32) {
    %c0_i32 = arith.constant 0 : i32
    %c0_i32_0 = arith.constant 0 : i32
    return %arg0, %c0_i32 : i32, i32
  }
  func.func @transform_2(%arg0: i32) -> (i32, i32) {
    %c0_i32 = arith.constant 0 : i32
    %c0_i32_0 = arith.constant 0 : i32
    %c0_i32_1 = arith.constant 0 : i32
    return %c0_i32, %c0_i32_0 : i32, i32
  }
}

module attributes {stable_mosaic.version = 14 : i64} {
  func.func @_p2_body(%arg0: i32, %arg1: memref<512x128xf32, #tpu.memory_space<vmem>>, %arg2: memref<16x128xf32, #tpu.memory_space<vmem>>, %arg3: memref<16x128xf32, #tpu.memory_space<vmem>>, %arg4: memref<1x128xf32, #tpu.memory_space<vmem>>, %arg5: memref<1x128xf32, #tpu.memory_space<vmem>>, %arg6: memref<128x64xf32, #tpu.memory_space<vmem>>, %arg7: memref<512x64xf32, #tpu.memory_space<vmem>>, %arg8: memref<16x64xf32, #tpu.memory_space<vmem>>, %arg9: memref<16x64xf32, #tpu.memory_space<vmem>>) attributes {dimension_semantics = [#tpu.dimension_semantics<arbitrary>], iteration_bounds = array<i64: 256>, scalar_prefetch = 0 : i64, scratch_operands = 1 : i64, tpu.core_type = #tpu.core_type<tc>, window_params = [{transform_indices = @transform_0, window_bounds = array<i64: 512, 128>}, {transform_indices = @transform_1, window_bounds = array<i64: 16, 128>}, {pipeline_mode = #tpu.pipeline_mode<synchronous>, transform_indices = @transform_2, window_bounds = array<i64: 16, 128>}, {pipeline_mode = #tpu.pipeline_mode<synchronous>, transform_indices = @transform_3, window_bounds = array<i64: 1, 128>}, {pipeline_mode = #tpu.pipeline_mode<synchronous>, transform_indices = @transform_4, window_bounds = array<i64: 1, 128>}, {pipeline_mode = #tpu.pipeline_mode<synchronous>, transform_indices = @transform_5, window_bounds = array<i64: 128, 64>}, {transform_indices = @transform_6, window_bounds = array<i64: 512, 64>}, {pipeline_mode = #tpu.pipeline_mode<synchronous>, transform_indices = @transform_7, window_bounds = array<i64: 16, 64>}]} {
    %eq3A = arith.constant 0 : i32
    %eq3A_0 = arith.cmpi eq, %arg0, %eq3A : i32
    %convert_element_type3A = arith.extui %eq3A_0 : i1 to i32
    %cond3A = arith.constant 0 : i32
    %cond3A_1 = arith.cmpi ne, %convert_element_type3A, %cond3A : i32
    scf.if %cond3A_1 {
      %broadcast_in_dim3A_78 = arith.constant 0.000000e+00 : f32
      %broadcast_in_dim3A_79 = vector.broadcast %broadcast_in_dim3A_78 : f32 to vector<16x64xf32>
      %swap3A_80 = arith.constant 0 : index
      %swap3A_81 = arith.constant 0 : index
      %swap3A_82 = vector.load %arg9[%swap3A_80, %swap3A_81] : memref<16x64xf32, #tpu.memory_space<vmem>>, vector<16x64xf32>
      tpu.vector_store %arg9[%swap3A_80, %swap3A_81], %broadcast_in_dim3A_79 {strides = array<i32>} : memref<16x64xf32, #tpu.memory_space<vmem>>, vector<16x64xf32>,
    } else {
    }
    %get3A = arith.constant 0 : index
    %get3A_2 = arith.constant 0 : index
    %get3A_3 = vector.load %arg3[%get3A, %get3A_2] : memref<16x128xf32, #tpu.memory_space<vmem>>, vector<8x128xf32>
    %reduce_sum3A = arith.constant dense<0.000000e+00> : vector<128xf32>
    %reduce_sum3A_4 = vector.multi_reduction <add>, %get3A_3, %reduce_sum3A [0] : vector<8x128xf32> to vector<128xf32>
    %broadcast_in_dim3A = vector.shape_cast %reduce_sum3A_4 : vector<128xf32> to vector<1x128xf32>
    %div3A = arith.constant 1.310720e+05 : f32
    %div3A_5 = vector.broadcast %div3A : f32 to vector<1x128xf32>
    %div3A_6 = arith.divf %broadcast_in_dim3A, %div3A_5 : vector<1x128xf32>
    %get3A_7 = arith.constant 8 : index
    %get3A_8 = arith.constant 0 : index
    %get3A_9 = vector.load %arg3[%get3A_7, %get3A_8] : memref<16x128xf32, #tpu.memory_space<vmem>>, vector<8x128xf32>
    %reduce_sum3A_10 = arith.constant dense<0.000000e+00> : vector<128xf32>
    %reduce_sum3A_11 = vector.multi_reduction <add>, %get3A_9, %reduce_sum3A_10 [0] : vector<8x128xf32> to vector<128xf32>
    %broadcast_in_dim3A_12 = vector.shape_cast %reduce_sum3A_11 : vector<128xf32> to vector<1x128xf32>
    %div3A_13 = arith.constant 1.310720e+05 : f32
    %div3A_14 = vector.broadcast %div3A_13 : f32 to vector<1x128xf32>
    %div3A_15 = arith.divf %broadcast_in_dim3A_12, %div3A_14 : vector<1x128xf32>
    %mul3A = arith.mulf %div3A_6, %div3A_6 : vector<1x128xf32>
    %sub3A = arith.subf %div3A_15, %mul3A : vector<1x128xf32>
    %get3A_16 = arith.constant 0 : index
    %get3A_17 = arith.constant 0 : index
    %get3A_18 = vector.load %arg4[%get3A_16, %get3A_17] : memref<1x128xf32, #tpu.memory_space<vmem>>, vector<1x128xf32>
    %add3A = arith.constant 9.99999974E-6 : f32
    %add3A_19 = vector.broadcast %add3A : f32 to vector<1x128xf32>
    %add3A_20 = arith.addf %sub3A, %add3A_19 : vector<1x128xf32>
    %rsqrt3A = math.rsqrt %add3A_20 : vector<1x128xf32>
    %mul3A_21 = arith.mulf %get3A_18, %rsqrt3A : vector<1x128xf32>
    %get3A_22 = arith.constant 0 : index
    %get3A_23 = arith.constant 0 : index
    %get3A_24 = vector.load %arg5[%get3A_22, %get3A_23] : memref<1x128xf32, #tpu.memory_space<vmem>>, vector<1x128xf32>
    %mul3A_25 = arith.mulf %div3A_6, %mul3A_21 : vector<1x128xf32>
    %sub3A_26 = arith.subf %get3A_24, %mul3A_25 : vector<1x128xf32>
    %get3A_27 = arith.constant 0 : index
    %get3A_28 = arith.constant 0 : index
    %get3A_29 = vector.load %arg1[%get3A_27, %get3A_28] : memref<512x128xf32, #tpu.memory_space<vmem>>, vector<512x128xf32>
    %reshape3A = vector.shape_cast %get3A_29 : vector<512x128xf32> to vector<16x32x128xf32>
    %get3A_30 = arith.constant 0 : index
    %get3A_31 = arith.constant 0 : index
    %get3A_32 = vector.load %arg2[%get3A_30, %get3A_31] : memref<16x128xf32, #tpu.memory_space<vmem>>, vector<16x128xf32>
    %reshape3A_33 = vector.shape_cast %get3A_32 : vector<16x128xf32> to vector<16x1x128xf32>
    %sub3A_34 = vector.broadcast %reshape3A_33 : vector<16x1x128xf32> to vector<16x32x128xf32>
    %sub3A_35 = arith.subf %reshape3A, %sub3A_34 : vector<16x32x128xf32>
    %reshape3A_36 = vector.shape_cast %sub3A_35 : vector<16x32x128xf32> to vector<512x128xf32>
    %mul3A_37 = vector.broadcast %mul3A_21 : vector<1x128xf32> to vector<512x128xf32>
    %mul3A_38 = arith.mulf %reshape3A_36, %mul3A_37 : vector<512x128xf32>
    %add3A_39 = vector.broadcast %sub3A_26 : vector<1x128xf32> to vector<512x128xf32>
    %add3A_40 = arith.addf %mul3A_38, %add3A_39 : vector<512x128xf32>
    %ge3A = arith.constant 0.000000e+00 : f32
    %ge3A_41 = vector.broadcast %ge3A : f32 to vector<512x128xf32>
    %ge3A_42 = arith.cmpf oge, %add3A_40, %ge3A_41 : vector<512x128xf32>
    %mul3A_43 = arith.constant 1.000000e-01 : f32
    %mul3A_44 = vector.broadcast %mul3A_43 : f32 to vector<512x128xf32>
    %mul3A_45 = arith.mulf %mul3A_44, %add3A_40 : vector<512x128xf32>
    %select_n3A = arith.select %ge3A_42, %add3A_40, %mul3A_45 : vector<512x128xi1>, vector<512x128xf32>
    %get3A_46 = arith.constant 0 : index
    %get3A_47 = arith.constant 0 : index
    %get3A_48 = vector.load %arg6[%get3A_46, %get3A_47] : memref<128x64xf32, #tpu.memory_space<vmem>>, vector<128x64xf32>
    %dot_general3A = arith.constant dense<0.000000e+00> : vector<512x64xf32>
    %dot_general3A_49 = tpu.matmul %select_n3A, %get3A_48, %dot_general3A {dimension_numbers = #tpu.dot_dimension_numbers<[1], [0], [0], [1], [0, 0, 1, 1], [], []>, transpose_lhs_hint = false} : vector<512x128xf32>, vector<128x64xf32>, vector<512x64xf32> -> vector<512x64xf32>
    %swap3A = arith.constant 0 : index
    %swap3A_50 = arith.constant 0 : index
    %swap3A_51 = vector.load %arg7[%swap3A, %swap3A_50] : memref<512x64xf32, #tpu.memory_space<vmem>>, vector<512x64xf32>
    tpu.vector_store %arg7[%swap3A, %swap3A_50], %dot_general3A_49 {strides = array<i32>} : memref<512x64xf32, #tpu.memory_space<vmem>>, vector<512x64xf32>,
    %get3A_52 = arith.constant 0 : index
    %get3A_53 = arith.constant 0 : index
    %get3A_54 = vector.load %arg9[%get3A_52, %get3A_53] : memref<16x64xf32, #tpu.memory_space<vmem>>, vector<8x64xf32>
    %reshape3A_55 = vector.shape_cast %dot_general3A_49 : vector<512x64xf32> to vector<64x8x64xf32>
    %reduce_sum3A_56 = arith.constant dense<0.000000e+00> : vector<8x64xf32>
    %reduce_sum3A_57 = vector.multi_reduction <add>, %reshape3A_55, %reduce_sum3A_56 [0] : vector<64x8x64xf32> to vector<8x64xf32>
    %add3A_58 = arith.addf %get3A_54, %reduce_sum3A_57 : vector<8x64xf32>
    %swap3A_59 = arith.constant 0 : index
    %swap3A_60 = arith.constant 0 : index
    %swap3A_61 = vector.load %arg9[%swap3A_59, %swap3A_60] : memref<16x64xf32, #tpu.memory_space<vmem>>, vector<8x64xf32>
    tpu.vector_store %arg9[%swap3A_59, %swap3A_60], %add3A_58 {strides = array<i32>} : memref<16x64xf32, #tpu.memory_space<vmem>>, vector<8x64xf32>,
    %get3A_62 = arith.constant 8 : index
    %get3A_63 = arith.constant 0 : index
    %get3A_64 = vector.load %arg9[%get3A_62, %get3A_63] : memref<16x64xf32, #tpu.memory_space<vmem>>, vector<8x64xf32>
    %mul3A_65 = arith.mulf %dot_general3A_49, %dot_general3A_49 : vector<512x64xf32>
    %reshape3A_66 = vector.shape_cast %mul3A_65 : vector<512x64xf32> to vector<64x8x64xf32>
    %reduce_sum3A_67 = arith.constant dense<0.000000e+00> : vector<8x64xf32>
    %reduce_sum3A_68 = vector.multi_reduction <add>, %reshape3A_66, %reduce_sum3A_67 [0] : vector<64x8x64xf32> to vector<8x64xf32>
    %add3A_69 = arith.addf %get3A_64, %reduce_sum3A_68 : vector<8x64xf32>
    %swap3A_70 = arith.constant 8 : index
    %swap3A_71 = arith.constant 0 : index
    %swap3A_72 = vector.load %arg9[%swap3A_70, %swap3A_71] : memref<16x64xf32, #tpu.memory_space<vmem>>, vector<8x64xf32>
    tpu.vector_store %arg9[%swap3A_70, %swap3A_71], %add3A_69 {strides = array<i32>} : memref<16x64xf32, #tpu.memory_space<vmem>>, vector<8x64xf32>,
    %eq3A_73 = arith.constant 255 : i32
    %eq3A_74 = arith.cmpi eq, %arg0, %eq3A_73 : i32
    %convert_element_type3A_75 = arith.extui %eq3A_74 : i1 to i32
    %cond3A_76 = arith.constant 0 : i32
    %cond3A_77 = arith.cmpi ne, %convert_element_type3A_75, %cond3A_76 : i32
    scf.if %cond3A_77 {
      %get3A_78 = arith.constant 0 : index
      %get3A_79 = arith.constant 0 : index
      %get3A_80 = vector.load %arg9[%get3A_78, %get3A_79] : memref<16x64xf32, #tpu.memory_space<vmem>>, vector<16x64xf32>
      %swap3A_81 = arith.constant 0 : index
      %swap3A_82 = arith.constant 0 : index
      %swap3A_83 = vector.load %arg8[%swap3A_81, %swap3A_82] : memref<16x64xf32, #tpu.memory_space<vmem>>, vector<16x64xf32>
      tpu.vector_store %arg8[%swap3A_81, %swap3A_82], %get3A_80 {strides = array<i32>} : memref<16x64xf32, #tpu.memory_space<vmem>>, vector<16x64xf32>,
    } else {
    }
    return
  }
  func.func @transform_0(%arg0: i32) -> (i32, i32) {
    %c0_i32 = arith.constant 0 : i32
    %c0_i32_0 = arith.constant 0 : i32
    return %arg0, %c0_i32 : i32, i32
  }
  func.func @transform_1(%arg0: i32) -> (i32, i32) {
    %c0_i32 = arith.constant 0 : i32
    %c0_i32_0 = arith.constant 0 : i32
    return %arg0, %c0_i32 : i32, i32
  }
  func.func @transform_2(%arg0: i32) -> (i32, i32) {
    %c0_i32 = arith.constant 0 : i32
    %c0_i32_0 = arith.constant 0 : i32
    %c0_i32_1 = arith.constant 0 : i32
    return %c0_i32, %c0_i32_0 : i32, i32
  }
  func.func @transform_3(%arg0: i32) -> (i32, i32) {
    %c0_i32 = arith.constant 0 : i32
    %c0_i32_0 = arith.constant 0 : i32
    %c0_i32_1 = arith.constant 0 : i32
    return %c0_i32, %c0_i32_0 : i32, i32
  }
  func.func @transform_4(%arg0: i32) -> (i32, i32) {
    %c0_i32 = arith.constant 0 : i32
    %c0_i32_0 = arith.constant 0 : i32
    %c0_i32_1 = arith.constant 0 : i32
    return %c0_i32, %c0_i32_0 : i32, i32
  }
  func.func @transform_5(%arg0: i32) -> (i32, i32) {
    %c0_i32 = arith.constant 0 : i32
    %c0_i32_0 = arith.constant 0 : i32
    %c0_i32_1 = arith.constant 0 : i32
    return %c0_i32, %c0_i32_0 : i32, i32
  }
  func.func @transform_6(%arg0: i32) -> (i32, i32) {
    %c0_i32 = arith.constant 0 : i32
    %c0_i32_0 = arith.constant 0 : i32
    return %arg0, %c0_i32 : i32, i32
  }
  func.func @transform_7(%arg0: i32) -> (i32, i32) {
    %c0_i32 = arith.constant 0 : i32
    %c0_i32_0 = arith.constant 0 : i32
    %c0_i32_1 = arith.constant 0 : i32
    return %c0_i32, %c0_i32_0 : i32, i32
  }
}

module attributes {stable_mosaic.version = 14 : i64} {
  func.func @_p3_body(%arg0: i32, %arg1: memref<512x64xf32, #tpu.memory_space<vmem>>, %arg2: memref<16x64xf32, #tpu.memory_space<vmem>>, %arg3: memref<1x64xf32, #tpu.memory_space<vmem>>, %arg4: memref<1x64xf32, #tpu.memory_space<vmem>>, %arg5: memref<64x128xf32, #tpu.memory_space<vmem>>, %arg6: memref<16x128xf32, #tpu.memory_space<vmem>>, %arg7: memref<16x128xf32, #tpu.memory_space<vmem>>, %arg8: memref<16x128xf32, #tpu.memory_space<vmem>>, %arg9: memref<16x128xf32, #tpu.memory_space<vmem>>) attributes {dimension_semantics = [#tpu.dimension_semantics<arbitrary>], iteration_bounds = array<i64: 256>, scalar_prefetch = 0 : i64, scratch_operands = 1 : i64, tpu.core_type = #tpu.core_type<tc>, window_params = [{transform_indices = @transform_0, window_bounds = array<i64: 512, 64>}, {pipeline_mode = #tpu.pipeline_mode<synchronous>, transform_indices = @transform_1, window_bounds = array<i64: 16, 64>}, {pipeline_mode = #tpu.pipeline_mode<synchronous>, transform_indices = @transform_2, window_bounds = array<i64: 1, 64>}, {pipeline_mode = #tpu.pipeline_mode<synchronous>, transform_indices = @transform_3, window_bounds = array<i64: 1, 64>}, {pipeline_mode = #tpu.pipeline_mode<synchronous>, transform_indices = @transform_4, window_bounds = array<i64: 64, 128>}, {transform_indices = @transform_5, window_bounds = array<i64: 16, 128>}, {transform_indices = @transform_6, window_bounds = array<i64: 16, 128>}, {pipeline_mode = #tpu.pipeline_mode<synchronous>, transform_indices = @transform_7, window_bounds = array<i64: 16, 128>}]} {
    %eq3A = arith.constant 0 : i32
    %eq3A_0 = arith.cmpi eq, %arg0, %eq3A : i32
    %convert_element_type3A = arith.extui %eq3A_0 : i1 to i32
    %cond3A = arith.constant 0 : i32
    %cond3A_1 = arith.cmpi ne, %convert_element_type3A, %cond3A : i32
    scf.if %cond3A_1 {
      %broadcast_in_dim3A_76 = arith.constant 0.000000e+00 : f32
      %broadcast_in_dim3A_77 = vector.broadcast %broadcast_in_dim3A_76 : f32 to vector<16x128xf32>
      %swap3A_78 = arith.constant 0 : index
      %swap3A_79 = arith.constant 0 : index
      %swap3A_80 = vector.load %arg9[%swap3A_78, %swap3A_79] : memref<16x128xf32, #tpu.memory_space<vmem>>, vector<16x128xf32>
      tpu.vector_store %arg9[%swap3A_78, %swap3A_79], %broadcast_in_dim3A_77 {strides = array<i32>} : memref<16x128xf32, #tpu.memory_space<vmem>>, vector<16x128xf32>,
    } else {
    }
    %get3A = arith.constant 0 : index
    %get3A_2 = arith.constant 0 : index
    %get3A_3 = vector.load %arg2[%get3A, %get3A_2] : memref<16x64xf32, #tpu.memory_space<vmem>>, vector<8x64xf32>
    %reduce_sum3A = arith.constant dense<0.000000e+00> : vector<64xf32>
    %reduce_sum3A_4 = vector.multi_reduction <add>, %get3A_3, %reduce_sum3A [0] : vector<8x64xf32> to vector<64xf32>
    %broadcast_in_dim3A = vector.shape_cast %reduce_sum3A_4 : vector<64xf32> to vector<1x64xf32>
    %div3A = arith.constant 1.310720e+05 : f32
    %div3A_5 = vector.broadcast %div3A : f32 to vector<1x64xf32>
    %div3A_6 = arith.divf %broadcast_in_dim3A, %div3A_5 : vector<1x64xf32>
    %get3A_7 = arith.constant 8 : index
    %get3A_8 = arith.constant 0 : index
    %get3A_9 = vector.load %arg2[%get3A_7, %get3A_8] : memref<16x64xf32, #tpu.memory_space<vmem>>, vector<8x64xf32>
    %reduce_sum3A_10 = arith.constant dense<0.000000e+00> : vector<64xf32>
    %reduce_sum3A_11 = vector.multi_reduction <add>, %get3A_9, %reduce_sum3A_10 [0] : vector<8x64xf32> to vector<64xf32>
    %broadcast_in_dim3A_12 = vector.shape_cast %reduce_sum3A_11 : vector<64xf32> to vector<1x64xf32>
    %div3A_13 = arith.constant 1.310720e+05 : f32
    %div3A_14 = vector.broadcast %div3A_13 : f32 to vector<1x64xf32>
    %div3A_15 = arith.divf %broadcast_in_dim3A_12, %div3A_14 : vector<1x64xf32>
    %mul3A = arith.mulf %div3A_6, %div3A_6 : vector<1x64xf32>
    %sub3A = arith.subf %div3A_15, %mul3A : vector<1x64xf32>
    %get3A_16 = arith.constant 0 : index
    %get3A_17 = arith.constant 0 : index
    %get3A_18 = vector.load %arg3[%get3A_16, %get3A_17] : memref<1x64xf32, #tpu.memory_space<vmem>>, vector<1x64xf32>
    %add3A = arith.constant 9.99999974E-6 : f32
    %add3A_19 = vector.broadcast %add3A : f32 to vector<1x64xf32>
    %add3A_20 = arith.addf %sub3A, %add3A_19 : vector<1x64xf32>
    %rsqrt3A = math.rsqrt %add3A_20 : vector<1x64xf32>
    %mul3A_21 = arith.mulf %get3A_18, %rsqrt3A : vector<1x64xf32>
    %get3A_22 = arith.constant 0 : index
    %get3A_23 = arith.constant 0 : index
    %get3A_24 = vector.load %arg4[%get3A_22, %get3A_23] : memref<1x64xf32, #tpu.memory_space<vmem>>, vector<1x64xf32>
    %mul3A_25 = arith.mulf %div3A_6, %mul3A_21 : vector<1x64xf32>
    %sub3A_26 = arith.subf %get3A_24, %mul3A_25 : vector<1x64xf32>
    %get3A_27 = arith.constant 0 : index
    %get3A_28 = arith.constant 0 : index
    %get3A_29 = vector.load %arg1[%get3A_27, %get3A_28] : memref<512x64xf32, #tpu.memory_space<vmem>>, vector<512x64xf32>
    %mul3A_30 = vector.broadcast %mul3A_21 : vector<1x64xf32> to vector<512x64xf32>
    %mul3A_31 = arith.mulf %get3A_29, %mul3A_30 : vector<512x64xf32>
    %add3A_32 = vector.broadcast %sub3A_26 : vector<1x64xf32> to vector<512x64xf32>
    %add3A_33 = arith.addf %mul3A_31, %add3A_32 : vector<512x64xf32>
    %ge3A = arith.constant 0.000000e+00 : f32
    %ge3A_34 = vector.broadcast %ge3A : f32 to vector<512x64xf32>
    %ge3A_35 = arith.cmpf oge, %add3A_33, %ge3A_34 : vector<512x64xf32>
    %mul3A_36 = arith.constant 1.000000e-01 : f32
    %mul3A_37 = vector.broadcast %mul3A_36 : f32 to vector<512x64xf32>
    %mul3A_38 = arith.mulf %mul3A_37, %add3A_33 : vector<512x64xf32>
    %select_n3A = arith.select %ge3A_35, %add3A_33, %mul3A_38 : vector<512x64xi1>, vector<512x64xf32>
    %get3A_39 = arith.constant 0 : index
    %get3A_40 = arith.constant 0 : index
    %get3A_41 = vector.load %arg5[%get3A_39, %get3A_40] : memref<64x128xf32, #tpu.memory_space<vmem>>, vector<64x128xf32>
    %dot_general3A = arith.constant dense<0.000000e+00> : vector<512x128xf32>
    %dot_general3A_42 = tpu.matmul %select_n3A, %get3A_41, %dot_general3A {dimension_numbers = #tpu.dot_dimension_numbers<[1], [0], [0], [1], [0, 0, 1, 1], [], []>, transpose_lhs_hint = false} : vector<512x64xf32>, vector<64x128xf32>, vector<512x128xf32> -> vector<512x128xf32>
    %get3A_43 = arith.constant 0 : index
    %get3A_44 = arith.constant 0 : index
    %get3A_45 = vector.load %arg9[%get3A_43, %get3A_44] : memref<16x128xf32, #tpu.memory_space<vmem>>, vector<8x128xf32>
    %reshape3A = vector.shape_cast %dot_general3A_42 : vector<512x128xf32> to vector<64x8x128xf32>
    %reduce_sum3A_46 = arith.constant dense<0.000000e+00> : vector<8x128xf32>
    %reduce_sum3A_47 = vector.multi_reduction <add>, %reshape3A, %reduce_sum3A_46 [0] : vector<64x8x128xf32> to vector<8x128xf32>
    %add3A_48 = arith.addf %get3A_45, %reduce_sum3A_47 : vector<8x128xf32>
    %swap3A = arith.constant 0 : index
    %swap3A_49 = arith.constant 0 : index
    %swap3A_50 = vector.load %arg9[%swap3A, %swap3A_49] : memref<16x128xf32, #tpu.memory_space<vmem>>, vector<8x128xf32>
    tpu.vector_store %arg9[%swap3A, %swap3A_49], %add3A_48 {strides = array<i32>} : memref<16x128xf32, #tpu.memory_space<vmem>>, vector<8x128xf32>,
    %get3A_51 = arith.constant 8 : index
    %get3A_52 = arith.constant 0 : index
    %get3A_53 = vector.load %arg9[%get3A_51, %get3A_52] : memref<16x128xf32, #tpu.memory_space<vmem>>, vector<8x128xf32>
    %mul3A_54 = arith.mulf %dot_general3A_42, %dot_general3A_42 : vector<512x128xf32>
    %reshape3A_55 = vector.shape_cast %mul3A_54 : vector<512x128xf32> to vector<64x8x128xf32>
    %reduce_sum3A_56 = arith.constant dense<0.000000e+00> : vector<8x128xf32>
    %reduce_sum3A_57 = vector.multi_reduction <add>, %reshape3A_55, %reduce_sum3A_56 [0] : vector<64x8x128xf32> to vector<8x128xf32>
    %add3A_58 = arith.addf %get3A_53, %reduce_sum3A_57 : vector<8x128xf32>
    %swap3A_59 = arith.constant 8 : index
    %swap3A_60 = arith.constant 0 : index
    %swap3A_61 = vector.load %arg9[%swap3A_59, %swap3A_60] : memref<16x128xf32, #tpu.memory_space<vmem>>, vector<8x128xf32>
    tpu.vector_store %arg9[%swap3A_59, %swap3A_60], %add3A_58 {strides = array<i32>} : memref<16x128xf32, #tpu.memory_space<vmem>>, vector<8x128xf32>,
    %reshape3A_62 = vector.shape_cast %dot_general3A_42 : vector<512x128xf32> to vector<16x32x128xf32>
    %reduce_max3A = arith.constant dense<0xFF800000> : vector<16x128xf32>
    %reduce_max3A_63 = vector.multi_reduction <maximumf>, %reshape3A_62, %reduce_max3A [1] : vector<16x32x128xf32> to vector<16x128xf32>
    %swap3A_64 = arith.constant 0 : index
    %swap3A_65 = arith.constant 0 : index
    %swap3A_66 = vector.load %arg6[%swap3A_64, %swap3A_65] : memref<16x128xf32, #tpu.memory_space<vmem>>, vector<16x128xf32>
    tpu.vector_store %arg6[%swap3A_64, %swap3A_65], %reduce_max3A_63 {strides = array<i32>} : memref<16x128xf32, #tpu.memory_space<vmem>>, vector<16x128xf32>,
    %reduce_min3A = arith.constant dense<0x7F800000> : vector<16x128xf32>
    %reduce_min3A_67 = vector.multi_reduction <minimumf>, %reshape3A_62, %reduce_min3A [1] : vector<16x32x128xf32> to vector<16x128xf32>
    %swap3A_68 = arith.constant 0 : index
    %swap3A_69 = arith.constant 0 : index
    %swap3A_70 = vector.load %arg7[%swap3A_68, %swap3A_69] : memref<16x128xf32, #tpu.memory_space<vmem>>, vector<16x128xf32>
    tpu.vector_store %arg7[%swap3A_68, %swap3A_69], %reduce_min3A_67 {strides = array<i32>} : memref<16x128xf32, #tpu.memory_space<vmem>>, vector<16x128xf32>,
    %eq3A_71 = arith.constant 255 : i32
    %eq3A_72 = arith.cmpi eq, %arg0, %eq3A_71 : i32
    %convert_element_type3A_73 = arith.extui %eq3A_72 : i1 to i32
    %cond3A_74 = arith.constant 0 : i32
    %cond3A_75 = arith.cmpi ne, %convert_element_type3A_73, %cond3A_74 : i32
    scf.if %cond3A_75 {
      %get3A_76 = arith.constant 0 : index
      %get3A_77 = arith.constant 0 : index
      %get3A_78 = vector.load %arg9[%get3A_76, %get3A_77] : memref<16x128xf32, #tpu.memory_space<vmem>>, vector<16x128xf32>
      %swap3A_79 = arith.constant 0 : index
      %swap3A_80 = arith.constant 0 : index
      %swap3A_81 = vector.load %arg8[%swap3A_79, %swap3A_80] : memref<16x128xf32, #tpu.memory_space<vmem>>, vector<16x128xf32>
      tpu.vector_store %arg8[%swap3A_79, %swap3A_80], %get3A_78 {strides = array<i32>} : memref<16x128xf32, #tpu.memory_space<vmem>>, vector<16x128xf32>,
    } else {
    }
    return
  }
  func.func @transform_0(%arg0: i32) -> (i32, i32) {
    %c0_i32 = arith.constant 0 : i32
    %c0_i32_0 = arith.constant 0 : i32
    return %arg0, %c0_i32 : i32, i32
  }
  func.func @transform_1(%arg0: i32) -> (i32, i32) {
    %c0_i32 = arith.constant 0 : i32
    %c0_i32_0 = arith.constant 0 : i32
    %c0_i32_1 = arith.constant 0 : i32
    return %c0_i32, %c0_i32_0 : i32, i32
  }
  func.func @transform_2(%arg0: i32) -> (i32, i32) {
    %c0_i32 = arith.constant 0 : i32
    %c0_i32_0 = arith.constant 0 : i32
    %c0_i32_1 = arith.constant 0 : i32
    return %c0_i32, %c0_i32_0 : i32, i32
  }
  func.func @transform_3(%arg0: i32) -> (i32, i32) {
    %c0_i32 = arith.constant 0 : i32
    %c0_i32_0 = arith.constant 0 : i32
    %c0_i32_1 = arith.constant 0 : i32
    return %c0_i32, %c0_i32_0 : i32, i32
  }
  func.func @transform_4(%arg0: i32) -> (i32, i32) {
    %c0_i32 = arith.constant 0 : i32
    %c0_i32_0 = arith.constant 0 : i32
    %c0_i32_1 = arith.constant 0 : i32
    return %c0_i32, %c0_i32_0 : i32, i32
  }
  func.func @transform_5(%arg0: i32) -> (i32, i32) {
    %c0_i32 = arith.constant 0 : i32
    %c0_i32_0 = arith.constant 0 : i32
    return %arg0, %c0_i32 : i32, i32
  }
  func.func @transform_6(%arg0: i32) -> (i32, i32) {
    %c0_i32 = arith.constant 0 : i32
    %c0_i32_0 = arith.constant 0 : i32
    return %arg0, %c0_i32 : i32, i32
  }
  func.func @transform_7(%arg0: i32) -> (i32, i32) {
    %c0_i32 = arith.constant 0 : i32
    %c0_i32_0 = arith.constant 0 : i32
    %c0_i32_1 = arith.constant 0 : i32
    return %c0_i32, %c0_i32_0 : i32, i32
  }
}

module attributes {stable_mosaic.version = 14 : i64} {
  func.func @_p4_body(%arg0: i32, %arg1: memref<512x128xf32, #tpu.memory_space<vmem>>, %arg2: memref<512x128xf32, #tpu.memory_space<vmem>>, %arg3: memref<16x128xf32, #tpu.memory_space<vmem>>, %arg4: memref<1x128xf32, #tpu.memory_space<vmem>>, %arg5: memref<1x128xf32, #tpu.memory_space<vmem>>, %arg6: memref<512x128xf32, #tpu.memory_space<vmem>>) attributes {dimension_semantics = [#tpu.dimension_semantics<arbitrary>], iteration_bounds = array<i64: 8>, scalar_prefetch = 0 : i64, scratch_operands = 0 : i64, tpu.core_type = #tpu.core_type<tc>, window_params = [{transform_indices = @transform_0, window_bounds = array<i64: 512, 128>}, {transform_indices = @transform_1, window_bounds = array<i64: 512, 128>}, {pipeline_mode = #tpu.pipeline_mode<synchronous>, transform_indices = @transform_2, window_bounds = array<i64: 16, 128>}, {pipeline_mode = #tpu.pipeline_mode<synchronous>, transform_indices = @transform_3, window_bounds = array<i64: 1, 128>}, {pipeline_mode = #tpu.pipeline_mode<synchronous>, transform_indices = @transform_4, window_bounds = array<i64: 1, 128>}, {transform_indices = @transform_5, window_bounds = array<i64: 512, 128>}]} {
    %get3A = arith.constant 0 : index
    %get3A_0 = arith.constant 0 : index
    %get3A_1 = vector.load %arg3[%get3A, %get3A_0] : memref<16x128xf32, #tpu.memory_space<vmem>>, vector<8x128xf32>
    %reduce_sum3A = arith.constant dense<0.000000e+00> : vector<128xf32>
    %reduce_sum3A_2 = vector.multi_reduction <add>, %get3A_1, %reduce_sum3A [0] : vector<8x128xf32> to vector<128xf32>
    %broadcast_in_dim3A = vector.shape_cast %reduce_sum3A_2 : vector<128xf32> to vector<1x128xf32>
    %div3A = arith.constant 1.310720e+05 : f32
    %div3A_3 = vector.broadcast %div3A : f32 to vector<1x128xf32>
    %div3A_4 = arith.divf %broadcast_in_dim3A, %div3A_3 : vector<1x128xf32>
    %get3A_5 = arith.constant 8 : index
    %get3A_6 = arith.constant 0 : index
    %get3A_7 = vector.load %arg3[%get3A_5, %get3A_6] : memref<16x128xf32, #tpu.memory_space<vmem>>, vector<8x128xf32>
    %reduce_sum3A_8 = arith.constant dense<0.000000e+00> : vector<128xf32>
    %reduce_sum3A_9 = vector.multi_reduction <add>, %get3A_7, %reduce_sum3A_8 [0] : vector<8x128xf32> to vector<128xf32>
    %broadcast_in_dim3A_10 = vector.shape_cast %reduce_sum3A_9 : vector<128xf32> to vector<1x128xf32>
    %div3A_11 = arith.constant 1.310720e+05 : f32
    %div3A_12 = vector.broadcast %div3A_11 : f32 to vector<1x128xf32>
    %div3A_13 = arith.divf %broadcast_in_dim3A_10, %div3A_12 : vector<1x128xf32>
    %mul3A = arith.mulf %div3A_4, %div3A_4 : vector<1x128xf32>
    %sub3A = arith.subf %div3A_13, %mul3A : vector<1x128xf32>
    %get3A_14 = arith.constant 0 : index
    %get3A_15 = arith.constant 0 : index
    %get3A_16 = vector.load %arg4[%get3A_14, %get3A_15] : memref<1x128xf32, #tpu.memory_space<vmem>>, vector<1x128xf32>
    %add3A = arith.constant 9.99999974E-6 : f32
    %add3A_17 = vector.broadcast %add3A : f32 to vector<1x128xf32>
    %add3A_18 = arith.addf %sub3A, %add3A_17 : vector<1x128xf32>
    %rsqrt3A = math.rsqrt %add3A_18 : vector<1x128xf32>
    %mul3A_19 = arith.mulf %get3A_16, %rsqrt3A : vector<1x128xf32>
    %get3A_20 = arith.constant 0 : index
    %get3A_21 = arith.constant 0 : index
    %get3A_22 = vector.load %arg5[%get3A_20, %get3A_21] : memref<1x128xf32, #tpu.memory_space<vmem>>, vector<1x128xf32>
    %mul3A_23 = arith.mulf %div3A_4, %mul3A_19 : vector<1x128xf32>
    %sub3A_24 = arith.subf %get3A_22, %mul3A_23 : vector<1x128xf32>
    %ge3A = arith.constant 0.000000e+00 : f32
    %ge3A_25 = vector.broadcast %ge3A : f32 to vector<1x128xf32>
    %ge3A_26 = arith.cmpf oge, %mul3A_19, %ge3A_25 : vector<1x128xf32>
    %get3A_27 = arith.constant 0 : index
    %get3A_28 = arith.constant 0 : index
    %get3A_29 = vector.load %arg1[%get3A_27, %get3A_28] : memref<512x128xf32, #tpu.memory_space<vmem>>, vector<512x128xf32>
    %mul3A_30 = vector.broadcast %mul3A_19 : vector<1x128xf32> to vector<512x128xf32>
    %mul3A_31 = arith.mulf %get3A_29, %mul3A_30 : vector<512x128xf32>
    %get3A_32 = arith.constant 0 : index
    %get3A_33 = arith.constant 0 : index
    %get3A_34 = vector.load %arg2[%get3A_32, %get3A_33] : memref<512x128xf32, #tpu.memory_space<vmem>>, vector<512x128xf32>
    %mul3A_35 = vector.broadcast %mul3A_19 : vector<1x128xf32> to vector<512x128xf32>
    %mul3A_36 = arith.mulf %get3A_34, %mul3A_35 : vector<512x128xf32>
    %broadcast_in_dim3A_37 = vector.shape_cast %ge3A_26 : vector<1x128xi1> to vector<1x128xi1>
    %broadcast_in_dim3A_38 = vector.broadcast %broadcast_in_dim3A_37 : vector<1x128xi1> to vector<512x128xi1>
    %select_n3A = arith.select %broadcast_in_dim3A_38, %mul3A_31, %mul3A_36 : vector<512x128xi1>, vector<512x128xf32>
    %add3A_39 = vector.broadcast %sub3A_24 : vector<1x128xf32> to vector<512x128xf32>
    %add3A_40 = arith.addf %select_n3A, %add3A_39 : vector<512x128xf32>
    %ge3A_41 = arith.constant 0.000000e+00 : f32
    %ge3A_42 = vector.broadcast %ge3A_41 : f32 to vector<512x128xf32>
    %ge3A_43 = arith.cmpf oge, %add3A_40, %ge3A_42 : vector<512x128xf32>
    %mul3A_44 = arith.constant 1.000000e-01 : f32
    %mul3A_45 = vector.broadcast %mul3A_44 : f32 to vector<512x128xf32>
    %mul3A_46 = arith.mulf %mul3A_45, %add3A_40 : vector<512x128xf32>
    %select_n3A_47 = arith.select %ge3A_43, %add3A_40, %mul3A_46 : vector<512x128xi1>, vector<512x128xf32>
    %swap3A = arith.constant 0 : index
    %swap3A_48 = arith.constant 0 : index
    %swap3A_49 = vector.load %arg6[%swap3A, %swap3A_48] : memref<512x128xf32, #tpu.memory_space<vmem>>, vector<512x128xf32>
    tpu.vector_store %arg6[%swap3A, %swap3A_48], %select_n3A_47 {strides = array<i32>} : memref<512x128xf32, #tpu.memory_space<vmem>>, vector<512x128xf32>,
    return
  }
  func.func @transform_0(%arg0: i32) -> (i32, i32) {
    %c0_i32 = arith.constant 0 : i32
    %c0_i32_0 = arith.constant 0 : i32
    return %arg0, %c0_i32 : i32, i32
  }
  func.func @transform_1(%arg0: i32) -> (i32, i32) {
    %c0_i32 = arith.constant 0 : i32
    %c0_i32_0 = arith.constant 0 : i32
    return %arg0, %c0_i32 : i32, i32
  }
  func.func @transform_2(%arg0: i32) -> (i32, i32) {
    %c0_i32 = arith.constant 0 : i32
    %c0_i32_0 = arith.constant 0 : i32
    %c0_i32_1 = arith.constant 0 : i32
    return %c0_i32, %c0_i32_0 : i32, i32
  }
  func.func @transform_3(%arg0: i32) -> (i32, i32) {
    %c0_i32 = arith.constant 0 : i32
    %c0_i32_0 = arith.constant 0 : i32
    %c0_i32_1 = arith.constant 0 : i32
    return %c0_i32, %c0_i32_0 : i32, i32
  }
  func.func @transform_4(%arg0: i32) -> (i32, i32) {
    %c0_i32 = arith.constant 0 : i32
    %c0_i32_0 = arith.constant 0 : i32
    %c0_i32_1 = arith.constant 0 : i32
    return %c0_i32, %c0_i32_0 : i32, i32
  }
  func.func @transform_5(%arg0: i32) -> (i32, i32) {
    %c0_i32 = arith.constant 0 : i32
    %c0_i32_0 = arith.constant 0 : i32
    return %arg0, %c0_i32 : i32, i32
  }
}

</mosaic_0001>

<sc_bundles>
// kernel: kernel.11.cloned.1.call-start
scs
__scs_entry_jumppad:
0x0: {  	(pc) =	sbr.rel $0x88, $3  }
0x1: {  	(tag) =	ssettag $0x0;
	lr =	simm.s32 $0x1  }
0x2: {  	[smem:$0x3F96] =	sst lr;
	_ =	strace $0xD0000000  }
0x3: {  	_ = 	snop  }
0x4: {  	_ = 	snop  }
0x5: {  	_ = 	snop  }
0x6: {  	_ = 	snop  }
0x7: {  	_ = 	snop  }
__scs_overlays_trampoline_lowered:
0x8: {  	[smem:$0x3FA5] =	sst s0  }
0x9: {  	[smem:$0x3FA6] =	sst s1  }
0xa: {  	[smem:$0x3FA7] =	sst s2  }
0xb: {  	[smem:$0x3FA8] =	sst s3  }
0xc: {  	[smem:$0x3FA9] =	sst s4  }
0xd: {  	[smem:$0x3FAA] =	sst s5  }
0xe: {  	[smem:$0x3FAB] =	sst s6  }
0xf: {  	[smem:$0x3FAC] =	sst s7  }
0x10: {  	[smem:$0x3FAD] =	sst s8  }
0x11: {  	[smem:$0x3FAE] =	sst s9;
	s0 =	simm.s32 @!p0 $0x0  }
0x12: {  	s1 =	sld [smem:$0x3F94];
	s0 =	simm.s32 @p0 $0x1  }
0x13: {  	[smem:$0x3FAF] =	sst s0;
	s0 =	simm.s32 @!p1 $0x0  }
0x14: {  	s2 =	sld [smem:$0x3F93];
	s0 =	simm.s32 @p1 $0x1  }
0x15: {  	[smem:$0x3FB0] =	sst s0;
	s0 =	simm.s32 @!p2 $0x0  }
0x16: {  	s3 =	sld [smem:$0x3FDB];
	s0 =	simm.s32 @p2 $0x1  }
0x17: {  	s4 =	simm.s32 $0x1BF5;
	[smem:$0x3FB2] =	sst s0  }
0x18: {  	s0 =	sld [smem:$0x3F95];
	_ =	swait.ge [sflag:s4], $0x0  }
0x19: {  	s7 =	sld [smem:$0x3F96]  }
0x1a: {  	s8 =	sadd.s32 $0xFFFFE003, lr  }
0x1b: {  	s9 =	sadd.s32 $0xFFFFFEF7, lr;
	s5 =	simm.s32 $0xFFFFFFFF;
	p2 =	slt.u32 s8, $0xFFFFF086  }
0x1c: {  	p1 =	slt.u32 s9, $0xF7A;
	s5 =	simm.s32 @!p2 $0x0  }
0x1d: {  	s5 =	simm.s32 @p1 $0x1;
	p0 =	seq.s32 s7, s2  }
0x1e: {  	s7 =	smul.u32 @!p0 $0xF7A, s2;
	p2 =	seq.s32 @!p0 s5, $0x0  }
0x1f: {  	s9 =	smul.u32 $0xF7A, s1;
	s8 =	simm.s32 @!p0 $0x1BF5;
	p2 =	por !p2, p0  }
0x20: {  	[sflag:s8] =	ssyncset.s32 @!p0 $0xFFFFF086;
	s6 =	sadd.s32 @!p0 s3, s7;
	s7 =	simm.s32 @!p0 $0x108  }
0x21: {  	s3 =	sadd.s32 s3, s9;
	s6 =	sadd.s32 @!p0 $0x88, s6;
	s7 =	simm.s32 @p2 $0x1082  }
0x22: {  	[simem:s7], [sflag:s8] =	dma.local @!p0 [hbm:s6], $0xF7A  }
0x23: {  	s9 =	sor.u32 $0xD0000000, s2;
	s6 =	simm.s32 $0x108;
	_ =	swait.ge @!p0 [sflag:s8], $0x0  }
0x24: {  	s3 =	sadd.s32 $0x88, s3;
	s6 =	simm.s32 @!p1 $0x1082;
	[sflag:s4] =	ssyncset.s32 $0xFFFFF086  }
0x25: {  	[simem:s6], [sflag:s4] =	dma.local [hbm:s3], $0xF7A  }
0x26: {  	[smem:$0x3F96] =	sst s1;
	(tag) =	ssettag s2;
	_ =	strace s9  }
0x27: {  	s1 =	sld [smem:$0x3FA6]  }
0x28: {  	s2 =	sld [smem:$0x3FA7]  }
0x29: {  	s4 =	sld [smem:$0x3FA9]  }
0x2a: {  	p0 =	seq.s32 s5, $0x0;
	s5 =	sld [smem:$0x3FAA]  }
0x2b: {  	s6 =	sld [smem:$0x3FAB]  }
0x2c: {  	s7 =	sld [smem:$0x3FAC]  }
0x2d: {  	s3 =	simm.s32 $0x108;
	s8 =	sld [smem:$0x3FAD]  }
0x2e: {  	s3 =	simm.s32 @!p0 $0x1082;
	s9 =	sld [smem:$0x3FAE]  }
0x2f: {  	lr =	sadd.s32 s0, s3;
	s0 =	sld [smem:$0x3FA5]  }
0x30: {  	s3 =	sld [smem:$0x3FA8]  }
0x31: {  	[smem:$0x3FB1] =	sst s10  }
0x32: {  	s10 =	sld [smem:$0x3FAF];
	_ =	sdelay $0x3  }
0x33: {  	p0 =	seq.s32 s10, $0x1;
	s10 =	sld [smem:$0x3FB1];
	_ =	sdelay $0x3  }
0x34: {  	[smem:$0x3FB1] =	sst s10  }
0x35: {  	s10 =	sld [smem:$0x3FB0];
	_ =	sdelay $0x3  }
0x36: {  	p1 =	seq.s32 s10, $0x1;
	s10 =	sld [smem:$0x3FB1];
	_ =	sdelay $0x3  }
0x37: {  	[smem:$0x3FB1] =	sst s10  }
0x38: {  	s10 =	sld [smem:$0x3FB2]  }
0x39: {  	_ = 	snop;
	(pc) =	sbr.ind lr, $3  }
0x3a: {  	_ = 	snop  }
0x3b: {  	_ = 	snop  }
0x3c: {  	p2 =	seq.s32 s10, $0x1;
	s10 =	sld [smem:$0x3FB1]  }
0x3d: {  	_ =	shalt  }
0x3e: {  	_ =	shalt  }
0x3f: {  	_ =	shalt  }
0x40: {  	_ =	shalt  }
0x41: {  	_ =	shalt  }
0x42: {  	_ =	shalt  }
0x43: {  	_ =	shalt  }
0x44: {  	_ =	shalt  }
0x45: {  	_ =	shalt  }
0x46: {  	_ =	shalt  }
0x47: {  	_ =	shalt  }
0x48: {  	_ =	shalt  }
0x49: {  	_ =	shalt  }
0x4a: {  	_ =	shalt  }
0x4b: {  	_ =	shalt  }
0x4c: {  	_ =	shalt  }
0x4d: {  	_ =	shalt  }
0x4e: {  	_ =	shalt  }
0x4f: {  	_ =	shalt  }
0x50: {  	_ =	shalt  }
0x51: {  	_ =	shalt  }
0x52: {  	_ =	shalt  }
0x53: {  	_ =	shalt  }
0x54: {  	_ =	shalt  }
0x55: {  	_ =	shalt  }
0x56: {  	_ =	shalt  }
0x57: {  	_ =	shalt  }
0x58: {  	_ =	shalt  }
0x59: {  	_ =	shalt  }
0x5a: {  	_ =	shalt  }
0x5b: {  	_ =	shalt  }
0x5c: {  	_ =	shalt  }
0x5d: {  	_ =	shalt  }
0x5e: {  	_ =	shalt  }
0x5f: {  	_ =	shalt  }
0x60: {  	_ =	shalt  }
0x61: {  	_ =	shalt  }
0x62: {  	_ =	shalt  }
0x63: {  	_ =	shalt  }
0x64: {  	_ =	shalt  }
0x65: {  	_ =	shalt  }
0x66: {  	_ =	shalt  }
0x67: {  	_ =	shalt  }
0x68: {  	_ =	shalt  }
0x69: {  	_ =	shalt  }
0x6a: {  	_ =	shalt  }
0x6b: {  	_ =	shalt  }
0x6c: {  	_ =	shalt  }
0x6d: {  	_ =	shalt  }
0x6e: {  	_ =	shalt  }
0x6f: {  	_ =	shalt  }
0x70: {  	_ =	shalt  }
0x71: {  	_ =	shalt  }
0x72: {  	_ =	shalt  }
0x73: {  	_ =	shalt  }
0x74: {  	_ =	shalt  }
0x75: {  	_ =	shalt  }
0x76: {  	_ =	shalt  }
0x77: {  	_ =	shalt  }
0x78: {  	_ =	shalt  }
0x79: {  	_ =	shalt  }
0x7a: {  	_ =	shalt  }
0x7b: {  	_ =	shalt  }
0x7c: {  	_ =	shalt  }
0x7d: {  	_ =	shalt  }
0x7e: {  	_ =	shalt  }
0x7f: {  	_ =	shalt  }
0x80: {  	_ =	shalt  }
0x81: {  	_ =	shalt  }
0x82: {  	_ =	shalt  }
0x83: {  	_ =	shalt  }
0x84: {  	_ =	shalt  }
0x85: {  	_ =	shalt  }
0x86: {  	_ =	shalt  }
0x87: {  	_ =	shalt  }
.Lfunc_end0:
.L_simem_size_0:
called_computation.1_lowered:
.L_overlay_start_0:
0x88: {  	s2 =	sld [smem:$0x3FD9]  }
0x89: {  	s3 =	sld [smem:$0x3FFE];
	_ =	sdelay $0x1  }
0x8a: {  	s1 =	srdreg.scid  }
0x8b: {  	s0 =	sand.u32 $0x1, s1  }
0x8c: {  	s16 =	sshll.u32 s0, $0xA;
	s2 =	sadd.s32 s3, s2  }
0x8d: {  	s2 =	sadd.s32 s2, s16  }
0x8e: {  	[smem:$0x3FBD] =	sst s2  }
0x8f: {  	_ = 	snop  }
0x90: {  	(tm) =	ssettm $0x1  }
0x91: {  	s17 =	sld [smem:$0x3FFB];
	_ =	sdelay $0x3  }
0x92: {  	_ =	strace s17  }
0x93: {  	s2 =	sld [smem:$0x3FFC];
	_ =	sdelay $0x3  }
0x94: {  	_ =	strace s2  }
0x95: {  	s2 =	sld [smem:$0x3FFD];
	_ =	sdelay $0x3  }
0x96: {  	_ =	strace s2  }
0x97: {  	_ =	strace $0x8FFFFFFF  }
0x98: {  	s18 =	sld [smem:$0x3FDB];
	_ =	sdelay $0x1  }
0x99: {  	s19 =	simm.s32 $_scs_section_size  }
0x9a: {  	s4 =	simm.s32 $_size__tile_overlayer_lowered;
	s5 =	simm.s32 $_tile_overlayer_lowered  }
0x9b: {  	s22 =	simm.s32 $0x1BFF;
	s21 =	sshll.u32 s5, $0x1;
	s2 =	sadd.s32 s19, s18  }
0x9c: {  	s6 =	simm.s32 $0x0;
	s20 =	sshll.u32 s4, $0x1;
	s4 =	sadd.s32 s21, s2  }
0x9d: {  	[timem:s6], [sflag:s22] =	dma.local [hbm:s4], s20  }
0x9e: {  	_ =	swait.ge [sflag:s22], s20  }
0x9f: {  	s3 =	ssub.s32 $0x0, s20;
	[sflag:s22] =	ssyncset.done $0x0  }
0xa0: {  	[sflag:s22] =	ssyncadd.s32 s3;
	_ =	sdelay $0x1  }
0xa1: {  	s23 =	simm.s32 $0x1B8B  }
0xa2: {  	_ =	swait.ge [sflag:s23], $0x1  }
0xa3: {  	[sflag:s23] =	ssyncset.done $0x0  }
0xa4: {  	s25 =	simm.s32 $0x1B8E;
	s24 =	sld [smem:$0x3FFE];
	[sflag:s23] =	ssyncadd.s32 $0xFFFFFFFF  }
0xa5: {  	s26 =	simm.s32 $execute0_lowered;
	[smem:$0x3FD2] =	sst s25  }
0xa6: {  	s4 =	sshll.u32 s26, $0x1;
	_ =	strace $0x80000049;
	[dreg:$0x1] =	wrdreg $0xFFFFFFFF  }
0xa7: {  	s28 =	simm.s32 $_size_execute0_lowered;
	s2 =	sadd.s32 s2, s4;
	[dreg:$0x0] =	wrdreg $0x0  }
0xa8: {  	s4 =	sshll.u32 s28, $0x1;
	[dreg:$0x2] =	wrdreg s2  }
0xa9: {  	[dreg:$0x3] =	wrdreg s4  }
0xaa: {  	[dreg:$0x4] =	wrdreg $0xC0  }
0xab: {  	_ =	task [dreg:s6], $0x5FFFF  }
0xac: {  	[dreg:$0x1] =	wrdreg $0xFFFFFFFF  }
0xad: {  	[dreg:$0x0] =	wrdreg $0x60  }
0xae: {  	[dreg:$0x2] =	wrdreg s24  }
0xaf: {  	[dreg:$0x3] =	wrdreg $0x9  }
0xb0: {  	_ =	task.clear_ibuf [dreg:s6], $0x4FFFF;
	_ =	strace $0x90000049  }
0xb1: {  	s29 =	simm.s32 $0x9;
	_ =	strace $0x8000004B  }
0xb2: {  	_ =	swait.ge [sflag:s29], $0x1  }
0xb3: {  	[sflag:s29] =	ssyncadd.s32 $0xFFFFFFFF  }
0xb4: {  	_ =	strace $0x9000004B  }
0xb5: {  	_ =	sfence  }
0xb6: {  	s30 =	sld [smem:$0x0];
	_ =	sdelay $0x2  }
0xb7: {  	s31 =	sshll.u32 s1, $0xD;
	s1 =	sshrl.u32 s1, $0x2  }
0xb8: {  	s3 =	sand.u32 $0x4000, s31;
	s1 =	sadd.s32 s1, s30  }
0xb9: {  	s0 =	sor.u32 s3, s0;
	s1 =	sshll.u32 s1, $0x11  }
0xba: {  	s0 =	sor.u32 s1, s0  }
0xbb: {  	s0 =	sadd.s32 $0x8F2B, s0  }
0xbc: {  	[sflag:s0] =	ssyncadd.remote.s32 $0x1  }
0xbd: {  	_ =	sfence.sel $0xFFFF  }
0xbe: {  	[dreg:$0x0] =	wrdreg $0xFFFFFFFF;
	(pc) =	sbr.abs _section_cstart, $3  }
0xbf: {  	[dreg:$0x1] =	wrdreg $0xFFFFFFFF  }
0xc0: {  	_ =	task.clear_ibuf [dreg:s6], $0x2FFFF;
	_ =	strace $0x9FFFFFFF  }
0xc1: {  	(tm) =	ssettm $0x7FFFFFFF  }
tec
execute0_lowered:
.L_overlay_start_1:
0x0: {  	(tag) =	ssettag $0x1  }
0x1: {  	s4 =	rddreg [dreg:$0x0]  }
0x2: {  	s0 =	rddreg [dreg:$0x1];
	s1 =	simm.s32 $0x0  }
0x3: {  	s5 =	srdreg.scid;
	s2 =	stileid.u32;
	s9 =	simm.s32 $0x1  }
0x4: {  	s10 =	simm.s32 $0x0;
	[smem:$0x7FF] =	sst s1;
	s3 =	sadd.s32 $0x802000, s4  }
0x5: {  	s5 =	sand.u32 $0x1, s5;
	s6 =	sshll.u32 s2, $0xA;
	s7 =	sshll.u32 s2, $0x11  }
0x6: {  	_ =	strace $0x8000004A;
	s8 =	ssub.s32 $0x2, s5;
	s6 =	sadd.s32 s6, s4  }
0x7: {  	s7 =	sadd.s32 s7, s4;
	s31 =	sshll.u32 s5, $0x10;
	s5 =	sshll.u32 s5, $0x9  }
0x8: {  	s30 =	sshrl.u32 s8, $0x1;
	s7 =	sadd.s32 s31, s7;
	s6 =	sadd.s32 s5, s6  }
0x9: {  	s4 =	ssub.s32 s8, s30;
	s5 =	sadd.s32 $0x2000, s7;
	s6 =	sadd.s32 $0x882000, s6  }
0xa: {  	s7 =	simm.s32 $0x2;
	s8 =	simm.s32 $0x80;
	s4 =	smax.u32 s4, $0x1  }
.LBB2_1:
0xb: {  	s11 =	sadd.s32 $0x0, s6  }
0xc: {  	[tilespmem:s1], [sflag:$0x2] =	stream.linear.gather [hbm4b:s11+s1], $0x80, $0x38;
	[tilespmem:$0x4080] =	vst v63  }
0xd: {  	_ =	swait.ge [sflag:s7], $0x80  }
0xe: {  	[sflag:s7] =	ssyncset.done $0x0  }
0xf: {  	[sflag:s7] =	ssyncadd.s32 $0xFFFFFF80  }
0x10: {  	[tilespmem:s8], [sflag:$0x1] =	stream.indirect.gather [hbm4b:s3+s8], $0x80, s1, s8, $0xb8;
	[tilespmem:$0x4080] =	vst v63  }
0x11: {  	_ =	swait.ge [sflag:s9], $0x4000  }
0x12: {  	[sflag:s9] =	ssyncset.done $0x0  }
0x13: {  	[sflag:s9] =	ssyncadd.s32 $0xFFFFC000  }
0x14: {  	[hbm4b:s5+s1] =	stream.linear.scatter [tilespmem:s8], [sflag:$0x2], $0x4000, $0x38;
	[tilespmem:$0x4080] =	vst v63  }
0x15: {  	s12 =	simm.s32 $0x10;
	_ =	swait.ge [sflag:s7], $0x4000  }
0x16: {  	s13 =	simm.s32 $0x20;
	s11 =	sadd.s32 $0x800, s5;
	[sflag:s7] =	ssyncset.done $0x0  }
.LBB2_2:
0x17: {  	s14 =	sadd.s32 s12, s6  }
0x18: {  	[sflag:s7] =	ssyncadd.s32 $0xFFFFC000;
	s12 =	smov.u32 s13;
	s15 =	sadd.s32 $0x10, s13  }
0x19: {  	[tilespmem:s1], [sflag:$0x2] =	stream.linear.gather [hbm4b:s14+s1], $0x80, $0x38;
	[tilespmem:$0x4080] =	vst v63  }
0x1a: {  	p0 =	sne.s32 s13, $0x1F0;
	_ =	swait.ge [sflag:s7], $0x80  }
0x1b: {  	[sflag:s7] =	ssyncset.done $0x0  }
0x1c: {  	[sflag:s7] =	ssyncadd.s32 $0xFFFFFF80  }
0x1d: {  	[tilespmem:s8], [sflag:$0x1] =	stream.indirect.gather [hbm4b:s3+s8], $0x80, s1, s8, $0xb8;
	[tilespmem:$0x4080] =	vst v63  }
0x1e: {  	_ =	swait.ge [sflag:s9], $0x4000  }
.Ltmp0:
0x1f: {  	[sflag:s9] =	ssyncset.done $0x0;
	(pc) =	sbr.rel @p0 .LBB2_2-.Ltmp0, $4  }
0x20: {  	[sflag:s9] =	ssyncadd.s32 $0xFFFFC000  }
0x21: {  	[hbm4b:s11+s1] =	stream.linear.scatter [tilespmem:s8], [sflag:$0x2], $0x4000, $0x38;
	[tilespmem:$0x4080] =	vst v63  }
0x22: {  	_ =	swait.ge [sflag:s7], $0x4000  }
0x23: {  	s13 =	smov.u32 s15;
	s11 =	sadd.s32 $0x800, s11;
	[sflag:s7] =	ssyncset.done $0x0  }
0x24: {  	s12 =	sadd.s32 s12, s6;
	[sflag:s7] =	ssyncadd.s32 $0xFFFFC000  }
0x25: {  	[tilespmem:s1], [sflag:$0x2] =	stream.linear.gather [hbm4b:s12+s1], $0x80, $0x38;
	[tilespmem:$0x4080] =	vst v63  }
0x26: {  	_ =	swait.ge [sflag:s7], $0x80  }
0x27: {  	[sflag:s7] =	ssyncset.done $0x0  }
0x28: {  	[sflag:s7] =	ssyncadd.s32 $0xFFFFFF80  }
0x29: {  	[tilespmem:s8], [sflag:$0x1] =	stream.indirect.gather [hbm4b:s3+s8], $0x80, s1, s8, $0xb8;
	[tilespmem:$0x4080] =	vst v63  }
0x2a: {  	s10 =	sadd.s32 $0x1, s10;
	_ =	swait.ge [sflag:s9], $0x4000  }
0x2b: {  	p0 =	sne.s32 s10, s4;
	[sflag:s9] =	ssyncset.done $0x0  }
.Ltmp1:
0x2c: {  	[sflag:s9] =	ssyncadd.s32 $0xFFFFC000;
	(pc) =	sbr.rel @p0 .LBB2_1-.Ltmp1, $4  }
0x2d: {  	[hbm4b:s11+s1] =	stream.linear.scatter [tilespmem:s8], [sflag:$0x2], $0x4000, $0x38;
	[tilespmem:$0x4080] =	vst v63  }
0x2e: {  	_ =	swait.ge [sflag:s7], $0x4000  }
0x2f: {  	[sflag:s7] =	ssyncset.done $0x0  }
0x30: {  	[sflag:s7] =	ssyncadd.s32 $0xFFFFC000  }
0x31: {  	_ =	sfence.sel $0x180000  }
0x32: {  	[bflag:$0x0] =	sbarrier.arrive $0xFFFF  }
0x33: {  	p0 =	sne.s32 s2, $0x0;
	_ =	strace $0x9000004A  }
0x34: {  	s0 =	sadd.s32 @!p0 $0x100000, s0;
	[bflag:$0x2] =	sbarrier.arrive $0xFFFF  }
0x35: {  	[sflag:s0] =	ssyncadd.tile.s32 @!p0 $0x1;
	_ =	shalt  }
.Lfunc_end2:
_tile_overlayer_lowered:
.L_overlay_start_2:
0x36: {  	(tag) =	ssettag $0x2  }
0x37: {  	s0 =	rddreg [dreg:$0x0];
	s2 =	stileid.u32  }
0x38: {  	s1 =	rddreg [dreg:$0x1];
	p0 =	sne.s32 s2, $0x0  }
0x39: {  	s3 =	rddreg [dreg:$0x2];
	[bflag:$0x3] =	sbarrier.arrive $0xFFFF;
	s2 =	simm.s32 @!p0 $0x1C02  }
0x3a: {  	[timem:s3], [sflag:s2] =	dma.local @!p0 [hbm:s0], s1  }
0x3b: {  	s0 =	simm.s32 @!p0 $0x2  }
0x3c: {  	_ =	swait.ge @!p0 [sflag:s0], s1  }
0x3d: {  	s1 =	ssub.s32 @!p0 $0x0, s1;
	[sflag:s0] =	ssyncset.done @!p0 $0x0  }
0x3e: {  	[sflag:s0] =	ssyncadd.s32 @!p0 s1  }
0x3f: {  	[bflag:$0x3] =	sbarrier.arrive $0xFFFF  }
0x40: {  	_ =	shalt  }

// kernel: sparse-core-data-format-call.cloned.1.call-start
scs
called_computation_lowered:
.L_overlay_start_0:
0x0: {  	s1 =	sld [smem:$0x3FD9]  }
0x1: {  	s2 =	sld [smem:$0x3FFE];
	_ =	sdelay $0x1  }
0x2: {  	s3 =	srdreg.scid  }
0x3: {  	s0 =	sand.u32 $0x1, s3  }
0x4: {  	s17 =	sshll.u32 s0, $0xA;
	s1 =	sadd.s32 s2, s1  }
0x5: {  	s1 =	sadd.s32 s1, s17  }
0x6: {  	[smem:$0x3FBD] =	sst s1  }
0x7: {  	_ = 	snop  }
0x8: {  	(tm) =	ssettm $0x1  }
0x9: {  	s18 =	sld [smem:$0x3FFB];
	_ =	sdelay $0x3  }
0xa: {  	_ =	strace s18  }
0xb: {  	s1 =	sld [smem:$0x3FFC];
	_ =	sdelay $0x3  }
0xc: {  	_ =	strace s1  }
0xd: {  	s1 =	sld [smem:$0x3FFD];
	_ =	sdelay $0x3  }
0xe: {  	_ =	strace s1  }
0xf: {  	_ =	strace $0x8FFFFFFF  }
0x10: {  	s19 =	sld [smem:$0x3FDB];
	_ =	sdelay $0x1  }
0x11: {  	s20 =	simm.s32 $_scs_section_size  }
0x12: {  	s4 =	simm.s32 $_size__tile_overlayer_lowered;
	s5 =	simm.s32 $_tile_overlayer_lowered  }
0x13: {  	s23 =	simm.s32 $0x1BFF;
	s22 =	sshll.u32 s5, $0x1;
	s1 =	sadd.s32 s20, s19  }
0x14: {  	s6 =	simm.s32 $0x0;
	s21 =	sshll.u32 s4, $0x1;
	s4 =	sadd.s32 s22, s1  }
0x15: {  	[timem:s6], [sflag:s23] =	dma.local [hbm:s4], s21  }
0x16: {  	_ =	swait.ge [sflag:s23], s21  }
0x17: {  	s2 =	ssub.s32 $0x0, s21;
	[sflag:s23] =	ssyncset.done $0x0  }
0x18: {  	[sflag:s23] =	ssyncadd.s32 s2;
	_ =	sdelay $0x1  }
0x19: {  	s24 =	simm.s32 $0x1B8B  }
0x1a: {  	_ =	swait.ge [sflag:s24], $0x1  }
0x1b: {  	[sflag:s24] =	ssyncset.done $0x0  }
0x1c: {  	s26 =	simm.s32 $0x1B8E;
	s25 =	sld [smem:$0x3FFE];
	[sflag:s24] =	ssyncadd.s32 $0xFFFFFFFF  }
0x1d: {  	s27 =	simm.s32 $execute0_lowered;
	[smem:$0x3FD2] =	sst s26  }
0x1e: {  	s4 =	sshll.u32 s27, $0x1;
	_ =	strace $0x80000046;
	[dreg:$0x1] =	wrdreg $0xFFFFFFFF  }
0x1f: {  	s28 =	simm.s32 $_size_execute0_lowered;
	s1 =	sadd.s32 s1, s4;
	[dreg:$0x0] =	wrdreg $0x0  }
0x20: {  	s4 =	sshll.u32 s28, $0x1;
	[dreg:$0x2] =	wrdreg s1  }
0x21: {  	[dreg:$0x3] =	wrdreg s4  }
0x22: {  	[dreg:$0x4] =	wrdreg $0xC0  }
0x23: {  	_ =	task [dreg:s6], $0x5FFFF  }
0x24: {  	[dreg:$0x1] =	wrdreg $0xFFFFFFFF  }
0x25: {  	[dreg:$0x0] =	wrdreg $0x60  }
0x26: {  	[dreg:$0x2] =	wrdreg s25  }
0x27: {  	[dreg:$0x3] =	wrdreg $0x9  }
0x28: {  	_ =	task.clear_ibuf [dreg:s6], $0x4FFFF;
	_ =	strace $0x90000046  }
0x29: {  	s29 =	simm.s32 $0x9;
	_ =	strace $0x80000048  }
0x2a: {  	_ =	swait.ge [sflag:s29], $0x1  }
0x2b: {  	[sflag:s29] =	ssyncadd.s32 $0xFFFFFFFF  }
0x2c: {  	_ =	strace $0x90000048  }
0x2d: {  	_ =	sfence  }
0x2e: {  	s30 =	sld [smem:$0x0];
	_ =	sdelay $0x2  }
0x2f: {  	s31 =	sshll.u32 s3, $0xD;
	s3 =	sshrl.u32 s3, $0x2  }
0x30: {  	s2 =	sand.u32 $0x4000, s31;
	s1 =	sadd.s32 s3, s30  }
0x31: {  	s0 =	sor.u32 s2, s0;
	s1 =	sshll.u32 s1, $0x11  }
0x32: {  	s0 =	sor.u32 s1, s0  }
0x33: {  	s0 =	sadd.s32 $0x8F2B, s0  }
0x34: {  	[sflag:s0] =	ssyncadd.remote.s32 $0x1  }
0x35: {  	_ =	sfence.sel $0xFFFF  }
0x36: {  	[dreg:$0x0] =	wrdreg $0xFFFFFFFF;
	(pc) =	sbr.abs _section_cstart, $3  }
0x37: {  	[dreg:$0x1] =	wrdreg $0xFFFFFFFF  }
0x38: {  	_ =	task.clear_ibuf [dreg:s6], $0x2FFFF;
	_ =	strace $0x9FFFFFFF  }
0x39: {  	(tm) =	ssettm $0x7FFFFFFF  }
tec
execute0_lowered:
.L_overlay_start_1:
0x0: {  	(tag) =	ssettag $0x1  }
0x1: {  	s0 =	stileid.u32;
	s1 =	srdreg.scid  }
0x2: {  	s4 =	rddreg [dreg:$0x0];
	s7 =	simm.s32 $0x1;
	s31 =	simm.s32 $0x2  }
0x3: {  	s16 =	simm.s32 $0x0;
	s2 =	sshll.u32 s0, $0x5;
	s1 =	sshll.u32 s1, $0x9  }
0x4: {  	s9 =	simm.s32 $0x2000;
	s14 =	simm.s32 $0x0;
	s1 =	sor.u32 s2, s1  }
0x5: {  	s15 =	simm.s32 $0x0;
	s10 =	simm.s32 $0x0;
	s2 =	sand.u32 $0x380, s1  }
0x6: {  	s13 =	simm.s32 $0x0;
	s3 =	sadd.s32 $0x2000, s4;
	s5 =	ssub.s32 $0x400, s2  }
0x7: {  	s4 =	sadd.s32 $0x402000, s4;
	s1 =	rddreg [dreg:$0x1];
	s6 =	sand.u32 $0x380, s5  }
.Ltmp0:
0x8: {  	_ =	strace $0x80000047;
	p0 =	sne.s32 s6, $0x0;
	(pc) =	sbr.rel .LBB1_1-.Ltmp0, $4  }
0x9: {  	s11 =	smov.u32 s2;
	s8 =	sshrl.u32 s5, $0xA;
	s7 =	simm.s32 @!p0 $0x0  }
0xa: {  	s5 =	sand.u32 $0x3, s0;
	s6 =	simm.s32 $0x1;
	s7 =	sadd.s32 s7, s8  }
0xb: {  	s12 =	smov.u32 s5;
	[sflag:s6] =	ssyncpa.u1 $0x0;
	s7 =	sshll.u32 s7, $0x6  }
0xc: {  	p0 =	por $0x0, $0x0;
	[sflag:s31] =	ssyncpa.u1 $0x0;
	s8 =	sor.u32 $0x1, s7  }
.LBB1_4:
0xd: {  	v5 =	vld [tilespmem:s20+$0xFFFFFFD0];
	[tilespmem:s19+$0x2040 ss:$0x81] =	vst.msk $0xffff, v1  }
0xe: {  	v58 =	vld [tilespmem:s20+$0xFFFFFFE0];
	[tilespmem:s19+$0x2850 ss:$0x81] =	vst.msk $0xffff, v2  }
0xf: {  	s21 =	sshra.s32 s21, $0x2;
	v59 =	vld [tilespmem:s20+$0xFFFFFFF0];
	[tilespmem:s19+$0x3060 ss:$0x81] =	vst.msk $0xffff, v3  }
0x10: {  	v60 =	vld [tilespmem:s20+$0x0];
	[tilespmem:s19+$0x0 ss:$0x81] =	vst.msk $0xffff, v0;
	s18 =	sadd.s32 s21, s18  }
0x11: {  	v61 =	vld [tilespmem:s20+$0x10];
	[tilespmem:s18+$0x3870 ss:$0x81] =	vst.msk $0xffff, v4  }
0x12: {  	v62 =	vld [tilespmem:s20+$0x20];
	s26 =	sshll.u32 s16, $0xA;
	s27 =	sshll.u32 s14, $0x3;
	[tilespmem:s18+$0x810 ss:$0x81] =	vst.msk $0xffff, v5  }
0x13: {  	v63 =	vld [tilespmem:s20+$0xFFFFFFC0];
	s29 =	sshll.u32 s16, $0x7;
	s30 =	sand.u32 $0x78, s14;
	s15 =	sshll.u32 s15, $0x14;
	[tilespmem:s18+$0x1020 ss:$0x81] =	vst.msk $0xffff, v58  }
0x14: {  	s19 =	sand.u32 $0x7FE000, s26;
	s28 =	sand.u32 $0x7FFC00, s27;
	s16 =	sand.u32 $0x380, s29;
	[tilespmem:s18+$0x1830 ss:$0x81] =	vst.msk $0xffff, v59  }
0x15: {  	s31 =	sand.u32 $0x7, s14;
	s19 =	sadd.s32 s28, s19;
	s16 =	sor.u32 s30, s16;
	[tilespmem:s18+$0x2040 ss:$0x81] =	vst.msk $0xffff, v60  }
0x16: {  	s15 =	sadd.s32 s4, s15;
	s19 =	sshrl.u32 s19, $0x3;
	s16 =	sshrl.u32 s16, $0x3;
	[tilespmem:s18+$0x2850 ss:$0x81] =	vst.msk $0xffff, v61  }
0x17: {  	s14 =	sshll.u32 s31, $0x12;
	s19 =	sand.u32 $0xFFF80, s19;
	s15 =	sadd.s32 s16, s15;
	[tilespmem:s18+$0x3060 ss:$0x81] =	vst.msk $0xffff, v62  }
0x18: {  	s14 =	sor.u32 $0x400, s14;
	[tilespmem:s18+$0x0 ss:$0x81] =	vst.msk $0xffff, v63;
	s15 =	sadd.s32 s19, s15  }
0x19: {  	[hbm4b:s15+s14] =	stream.strided.scatter [tilespmem:s17], [sflag:$0x2], $0x4000, s9, s14, $0x20;
	[tilespmem:$0x10100] =	vst v63  }
.LBB1_5:
0x1a: {  	s17 =	sadd.s32 $0x80, s10  }
0x1b: {  	s14 =	sadd.s32 $0x400, s11;
	s18 =	smov.u32 s11;
	p2 =	sgt.s32 s17, $0x1FFF  }
0x1c: {  	s18 =	smov.u32 @p2 s14  }
0x1d: {  	s20 =	smov.u32 s12;
	s14 =	sadd.s32 $0x4, s12;
	p3 =	sgt.s32 s18, $0x3FF  }
0x1e: {  	s20 =	smov.u32 @p3 s14  }
0x1f: {  	s17 =	simm.s32 @p2 $0x0;
	p2 =	sgt.s32 s20, $0x3  }
0x20: {  	p1 =	slt.u32 s13, $0x2;
	s20 =	smov.u32 @p2 s5;
	p2 =	sne.s32 s13, s8  }
.Ltmp1:
0x21: {  	s19 =	simm.s32 @!p1 $0x2;
	(pc) =	sbr.rel @!p2 .LBB1_6-.Ltmp1, $4  }
0x22: {  	s16 =	smov.u32 s10;
	s15 =	smov.u32 s12;
	_ =	swait.ge @!p1 [sflag:s19], $0x4000  }
0x23: {  	p0 =	por !p0, !p0;
	[sflag:s19] =	ssyncset.done @!p1 $0x0;
	s10 =	smov.u32 s17  }
0x24: {  	s18 =	smov.u32 @p3 s2;
	s14 =	smov.u32 s11;
	[sflag:s19] =	ssyncadd.s32 @!p1 $0xFFFFC000  }
0x25: {  	s11 =	smov.u32 s18;
	s13 =	sadd.s32 $0x1, s13;
	s12 =	smov.u32 s20  }
.LBB1_1:
0x26: {  	p1 =	sge.u32 s13, s7;
	s31 =	sadd.s32 $0xFFFFFFFF, s13  }
0x27: {  	s17 =	sxor.u32 @!p1 $0xFFFFFFFF, s13;
	s18 =	sand.u32 @!p1 $0x78, s10;
	s19 =	sshll.u32 @!p1 s11, $0xD  }
0x28: {  	s20 =	sshll.u32 @!p1 s11, $0x7;
	s21 =	sshll.u32 @!p1 s10, $0x3;
	s17 =	sshll.u32 @!p1 s17, $0xE  }
0x29: {  	s19 =	sand.u32 @!p1 $0x7F0000, s19;
	s20 =	sand.u32 @!p1 $0x380, s20;
	s17 =	sand.u32 @!p1 $0x4000, s17  }
0x2a: {  	s19 =	sadd.s32 @!p1 s19, s21;
	s21 =	sand.u32 @!p1 $0x1C00, s21;
	s18 =	sor.u32 @!p1 s20, s18  }
0x2b: {  	s20 =	sshll.u32 @!p1 s12, $0x14;
	s18 =	sor.u32 @!p1 s21, s18;
	s19 =	sshrl.u32 @!p1 s19, $0x3  }
0x2c: {  	s20 =	sadd.s32 @!p1 s3, s20;
	s21 =	sand.u32 @!p1 $0x7, s10;
	s19 =	sand.u32 @!p1 $0xFFC00, s19  }
0x2d: {  	s18 =	sshrl.u32 @!p1 s18, $0x3;
	s19 =	sadd.s32 @!p1 s19, s20;
	s20 =	sshll.u32 @!p1 s21, $0x12  }
0x2e: {  	s18 =	sadd.s32 @!p1 s18, s19;
	s19 =	sor.u32 @!p1 $0x400, s20;
	s20 =	simm.s32 @!p1 $0x10000  }
0x2f: {  	[tilespmem:s17], [sflag:$0x1] =	stream.strided.gather @!p1 [hbm4b:s18+s19], $0x4000, s20, s19, $0x38;
	[tilespmem:$0x10100] =	vst v63  }
0x30: {  	p1 =	sge.u32 s31, s7  }
.Ltmp2:
0x31: {  	_ = 	snop;
	(pc) =	sbr.rel @p1 .LBB1_5-.Ltmp2, $1  }
0x32: {  	_ =	sdelay $0x3  }
0x33: {  	s17 =	simm.s32 $0x1  }
0x34: {  	_ =	swait.ge [sflag:s6], $0x4000;
	s17 =	simm.s32 @!p0 $0x0  }
0x35: {  	[sflag:s6] =	ssyncset.done $0x0;
	s18 =	sshll.u32 s17, $0xE  }
0x36: {  	[sflag:s6] =	ssyncadd.s32 $0xFFFFC000;
	s20 =	sor.u32 $0x40, s18  }
0x37: {  	s17 =	smul.u32 $0x10200, s17;
	v0 =	vld [tilespmem:s20+$0x30]  }
0x38: {  	v3 =	vld [tilespmem:s20+$0xFFFFFFD0]  }
0x39: {  	s17 =	sshrl.u32 s17, $0x2;
	v4 =	vld [tilespmem:s20+$0xFFFFFFE0]  }
0x3a: {  	v5 =	vld [tilespmem:s20+$0xFFFFFFF0];
	s18 =	sor.u32 $0x8000, s17  }
0x3b: {  	s31 =	sand.u32 $0x1, s13;
	v1 =	vld [tilespmem:s20+$0x0];
	s19 =	sadd.s32 $0x0, s18  }
0x3c: {  	v2 =	vld [tilespmem:s20+$0x10];
	s17 =	smul.u32 $0x10200, s31;
	[tilespmem:s19+$0x3870 ss:$0x81] =	vst.msk $0xffff, v0  }
0x3d: {  	[tilespmem:s19+$0x810 ss:$0x81] =	vst.msk $0xffff, v3;
	v3 =	vld [tilespmem:s20+$0x20]  }
0x3e: {  	s17 =	sshrl.u32 s17, $0x2;
	v0 =	vld [tilespmem:s20+$0xFFFFFFC0];
	[tilespmem:s19+$0x1020 ss:$0x81] =	vst.msk $0xffff, v4;
	s20 =	sadd.s32 $0x80, s20  }
0x3f: {  	s21 =	simm.s32 $0x4;
	s22 =	simm.s32 $0x8;
	s17 =	sor.u32 $0x8000, s17;
	[tilespmem:s19+$0x1830 ss:$0x81] =	vst.msk $0xffff, v5;
	v4 =	vld [tilespmem:s20+$0x30]  }
.LBB1_3:
0x40: {  	p1 =	sne.s32 s22, $0x1FC;
	v5 =	vld [tilespmem:s20+$0xFFFFFFD0];
	[tilespmem:s19+$0x2040 ss:$0x81] =	vst.msk $0xffff, v1  }
0x41: {  	v6 =	vld [tilespmem:s20+$0xFFFFFFE0];
	[tilespmem:s19+$0x2850 ss:$0x81] =	vst.msk $0xffff, v2  }
0x42: {  	s23 =	sshra.s32 s21, $0x2;
	s21 =	smov.u32 s22;
	v7 =	vld [tilespmem:s20+$0xFFFFFFF0];
	[tilespmem:s19+$0x3060 ss:$0x81] =	vst.msk $0xffff, v3  }
.Ltmp3:
0x43: {  	v1 =	vld [tilespmem:s20+$0x0];
	[tilespmem:s19+$0x0 ss:$0x81] =	vst.msk $0xffff, v0;
	s19 =	sadd.s32 s23, s18;
	(pc) =	sbr.rel @p1 .LBB1_3-.Ltmp3, $4  }
0x44: {  	v2 =	vld [tilespmem:s20+$0x10];
	[tilespmem:s19+$0x3870 ss:$0x81] =	vst.msk $0xffff, v4  }
0x45: {  	[tilespmem:s19+$0x810 ss:$0x81] =	vst.msk $0xffff, v5;
	v3 =	vld [tilespmem:s20+$0x20]  }
0x46: {  	v0 =	vld [tilespmem:s20+$0xFFFFFFC0];
	[tilespmem:s19+$0x1020 ss:$0x81] =	vst.msk $0xffff, v6;
	s20 =	sadd.s32 $0x80, s20  }
0x47: {  	s22 =	sadd.s32 $0x4, s22;
	v4 =	vld [tilespmem:s20+$0x30];
	[tilespmem:s19+$0x1830 ss:$0x81] =	vst.msk $0xffff, v7  }
.Ltmp4:
0x48: {  	_ = 	snop;
	(pc) =	sbr.rel .LBB1_4-.Ltmp4, $1  }
0x49: {  	_ =	sdelay $0x3  }
.LBB1_6:
0x4a: {  	_ =	sfence.sel $0x180000  }
0x4b: {  	s2 =	simm.s32 $0x1;
	[bflag:$0x0] =	sbarrier.arrive $0xFFFF  }
0x4c: {  	s31 =	simm.s32 $0x2;
	[sflag:s2] =	ssyncpa.u1 $0x1  }
0x4d: {  	[sflag:s31] =	ssyncpa.u1 $0x1  }
0x4e: {  	p0 =	sne.s32 s0, $0x0;
	_ =	strace $0x90000047  }
0x4f: {  	s0 =	sadd.s32 @!p0 $0x100000, s1;
	[bflag:$0x2] =	sbarrier.arrive $0xFFFF  }
0x50: {  	[sflag:s0] =	ssyncadd.tile.s32 @!p0 $0x1;
	_ =	shalt  }
.Lfunc_end1:
_tile_overlayer_lowered:
.L_overlay_start_2:
0x51: {  	(tag) =	ssettag $0x2  }
0x52: {  	s0 =	rddreg [dreg:$0x0];
	s2 =	stileid.u32  }
0x53: {  	s1 =	rddreg [dreg:$0x1];
	p0 =	sne.s32 s2, $0x0  }
0x54: {  	s3 =	rddreg [dreg:$0x2];
	[bflag:$0x3] =	sbarrier.arrive $0xFFFF;
	s2 =	simm.s32 @!p0 $0x1C01  }
0x55: {  	[timem:s3], [sflag:s2] =	dma.local @!p0 [hbm:s0], s1  }
0x56: {  	s0 =	simm.s32 @!p0 $0x1  }
0x57: {  	_ =	swait.ge @!p0 [sflag:s0], s1  }
0x58: {  	s1 =	ssub.s32 @!p0 $0x0, s1;
	[sflag:s0] =	ssyncset.done @!p0 $0x0  }
0x59: {  	[sflag:s0] =	ssyncadd.s32 @!p0 s1  }
0x5a: {  	[bflag:$0x3] =	sbarrier.arrive $0xFFFF  }
0x5b: {  	_ =	shalt  }

</sc_bundles>
